<compile_context>
chip_gen: v7x
topology: tpu7x:2x2x1
jax: 0.10.2.dev20260603
libtpu: 0.0.44.dev20260713+nightly
codegen_flags: <defaults>
</compile_context>

<pallas_src>
import jax
import jax.numpy as jnp
from jax import lax
from jax.experimental import pallas as pl
from jax.experimental.pallas import tpu as pltpu
from jax.experimental.pallas import tpu_sc as plsc

N_NODES = 10000
N_EDGES = 320000
D = 128
DH = D // 2

NC = 2
NS = 16

EDGES_PER_TILE = N_EDGES // NS
CHUNK = 125
CHUNKS_PER_TILE = EDGES_PER_TILE // CHUNK
NBUF = 4
N_PAD = 10240
ROWS_PER_TILE = N_PAD // NS
COPY_ROWS = 128
COPY_STEPS = ROWS_PER_TILE // COPY_ROWS


def _sc_agg_body(feat_hbm, src_hbm, dst_hbm, out_hbm,
                 src_v, dst_v, rows, stage_v, agg_sh, gsems, ssems):
    c = lax.axis_index("c")
    s = lax.axis_index("s")

    zeros16 = jnp.zeros((16,), jnp.float32)

    def _zero_row(i, carry):
        for j in range(DH // 16):
            stage_v[i, pl.ds(j * 16, 16)] = zeros16
        return carry

    lax.fori_loop(0, COPY_ROWS, _zero_row, 0)
    for p in range(COPY_STEPS):
        pltpu.sync_copy(stage_v, agg_sh.at[pl.ds(s * ROWS_PER_TILE + p * COPY_ROWS, COPY_ROWS)])

    pltpu.sync_copy(src_hbm.at[c, s], src_v)
    pltpu.sync_copy(dst_hbm.at[s], dst_v)

    plsc.subcore_barrier()

    def _gstart(i, b):
        pltpu.async_copy(feat_hbm.at[src_v.at[i]], rows[b], gsems[b])

    def _gwait(b):
        pltpu.make_async_copy(feat_hbm.at[src_v.at[0]], rows[b], gsems[b]).wait()

    def _sstart(i, b):
        pltpu.async_copy(rows[b], agg_sh.at[dst_v.at[i]], ssems[b], add=True)

    def _swait(b):
        pltpu.make_async_copy(rows[b], agg_sh.at[dst_v.at[0]], ssems[b]).wait()

    last = CHUNKS_PER_TILE - 1
    for b in range(NBUF):
        _gstart(b, b)

    def _group(g, carry):
        base = NBUF * g
        for b in range(NBUF):
            _gwait(b)
            _sstart(base + b, b)
        for b in range(NBUF):
            _swait(b)
            _gstart(jnp.minimum(base + NBUF + b, last), b)
        return carry

    lax.fori_loop(0, CHUNKS_PER_TILE // NBUF, _group, 0)
    for b in range(NBUF):
        _gwait(b)

    plsc.subcore_barrier()

    for p in range(COPY_STEPS):
        base = s * ROWS_PER_TILE + p * COPY_ROWS
        pltpu.sync_copy(agg_sh.at[pl.ds(base, COPY_ROWS)], stage_v)
        pltpu.sync_copy(stage_v, out_hbm.at[c, pl.ds(base, COPY_ROWS)])


@jax.jit
def _sc_aggregate(feat2, src_r, dst_r):
    mesh = plsc.VectorSubcoreMesh(core_axis_name="c", subcore_axis_name="s")
    return pl.kernel(
        _sc_agg_body,
        out_type=jax.ShapeDtypeStruct((NC, N_PAD, DH), jnp.float32),
        mesh=mesh,
        scratch_types=[
            pltpu.VMEM((CHUNKS_PER_TILE, CHUNK), jnp.int32),
            pltpu.VMEM((CHUNKS_PER_TILE, CHUNK), jnp.int32),
            [pltpu.VMEM((CHUNK, DH), jnp.float32)] * NBUF,
            pltpu.VMEM((COPY_ROWS, DH), jnp.float32),
            pltpu.VMEM_SHARED((N_PAD, DH), jnp.float32),
            [pltpu.SemaphoreType.DMA] * NBUF,
            [pltpu.SemaphoreType.DMA] * NBUF,
        ],
        compiler_params=pltpu.CompilerParams(use_tc_tiling_on_sc=False),
    )(feat2, src_r, dst_r)


def _tc_mm1_body(feat_ref, w1_ref, out_ref):
    out_ref[...] = jnp.dot(feat_ref[...], w1_ref[...],
                           preferred_element_type=jnp.float32)


@jax.jit
def _tc_mm1(feat, W1):
    blk = 1000
    return pl.pallas_call(
        _tc_mm1_body,
        grid=(N_NODES // blk,),
        in_specs=[
            pl.BlockSpec((blk, D), lambda i: (i, 0)),
            pl.BlockSpec((D, D), lambda i: (0, 0)),
        ],
        out_specs=pl.BlockSpec((blk, D), lambda i: (i, 0)),
        out_shape=jax.ShapeDtypeStruct((N_NODES, D), jnp.float32),
    )(feat, W1)


def _tc_mm2_body(h1_ref, p_ref, w2_ref, out_ref):
    agg = jnp.concatenate([p_ref[0], p_ref[1]], axis=-1)
    out_ref[...] = h1_ref[...] + jnp.dot(agg, w2_ref[...],
                                         preferred_element_type=jnp.float32)


@jax.jit
def _tc_mm2(h1, partials, W2):
    blk = 1000
    return pl.pallas_call(
        _tc_mm2_body,
        grid=(N_NODES // blk,),
        in_specs=[
            pl.BlockSpec((blk, D), lambda i: (i, 0)),
            pl.BlockSpec((NC, blk, DH), lambda i: (0, i, 0)),
            pl.BlockSpec((D, D), lambda i: (0, 0)),
        ],
        out_specs=pl.BlockSpec((blk, D), lambda i: (i, 0)),
        out_shape=jax.ShapeDtypeStruct((N_NODES, D), jnp.float32),
    )(h1, partials, W2)


def kernel(feat, edge_index, W1, W2):
    edge_index = edge_index.astype(jnp.int32)
    src2 = edge_index[0] * 2
    src_r = (src2[None, :] + jnp.arange(NC, dtype=jnp.int32)[:, None]).reshape(
        NC, NS, CHUNKS_PER_TILE, CHUNK)
    dst_r = edge_index[1].reshape(NS, CHUNKS_PER_TILE, CHUNK)
    feat2 = feat.reshape(N_NODES * 2, DH)
    partials = _sc_aggregate(feat2, src_r, dst_r)
    h1 = _tc_mm1(feat, W1)
    return _tc_mm2(h1, partials, W2)

# --- scband reference (transcript-rebuilt; emitter-appended) ---
"""Pipeline reference for scband-graph-conv-16381005267266 (READ-ONLY COPY).

The authoritative reference and input builder live on the scoring server;
editing this copy changes nothing except your own understanding.
"""

import jax, jax.numpy as jnp
import numpy as np

N_NODES = 10000
N_EDGES = 320000
D_IN = 128
D_OUT = 128


def setup_inputs(seed: int = 0) -> dict:
    key = jax.random.key(seed)
    k1, k2, k3, k4 = jax.random.split(key, 4)
    feat = jax.random.normal(k1, (N_NODES, D_IN), dtype=jnp.float32)
    edge_index = jax.random.randint(k2, (2, N_EDGES), 0, N_NODES, dtype=jnp.int64)
    # Xavier uniform init for weight1 / weight2 (gain=1)
    limit = float(np.sqrt(6.0 / (D_IN + D_OUT)))
    W1 = jax.random.uniform(k3, (D_IN, D_OUT), dtype=jnp.float32, minval=-limit, maxval=limit)
    W2 = jax.random.uniform(k4, (D_IN, D_OUT), dtype=jnp.float32, minval=-limit, maxval=limit)
    return {"feat": feat, "edge_index": edge_index, "W1": W1, "W2": W2}


def reference(feat, edge_index, W1, W2):
    # Homogeneous-graph equivalent of the DGL GraphConv:
    #   copy_src('h','m') message + fn.sum reduce == scatter-add of source features to dst
    src = edge_index[0]
    dst = edge_index[1]
    msgs = jnp.take(feat, src, axis=0)                       # gather: [E, D_IN]
    agg = jax.ops.segment_sum(msgs, dst, num_segments=feat.shape[0])  # scatter-add: [N, D_IN]
    # _apply: feat @ W1 + agg @ W2; activation=None; dropout with training=False is identity
    h = jnp.matmul(feat, W1) + jnp.matmul(agg, W2)
    return h

if __name__ == "__main__":
    import jax
    _d = setup_inputs()
    print(jax.jit(kernel)(*tuple(_d.values())))

</pallas_src>

<mosaic_0001>
#map = affine_map<(d0, d1) -> (0, 0)>
#map1 = affine_map<(d0, d1) -> (0, 0, 0, 0)>
#map2 = affine_map<(d0, d1) -> (0, 0, 0)>
module attributes {stable_mosaic.version = 14 : i64} {
  func.func @_sc_agg_body(%arg0: i32, %arg1: i32, %arg2: memref<20000x64xf32, #tpu.memory_space<hbm>>, %arg3: memref<2x16x160x125xi32, #tpu.memory_space<hbm>>, %arg4: memref<16x160x125xi32, #tpu.memory_space<hbm>>, %arg5: memref<2x10240x64xf32, #tpu.memory_space<hbm>>, %arg6: memref<160x125xi32, #tpu.memory_space<vmem>>, %arg7: memref<160x125xi32, #tpu.memory_space<vmem>>, %arg8: memref<125x64xf32, #tpu.memory_space<vmem>>, %arg9: memref<125x64xf32, #tpu.memory_space<vmem>>, %arg10: memref<125x64xf32, #tpu.memory_space<vmem>>, %arg11: memref<125x64xf32, #tpu.memory_space<vmem>>, %arg12: memref<128x64xf32, #tpu.memory_space<vmem>>, %arg13: memref<10240x64xf32, #tpu.memory_space<vmem_shared>>, %arg14: memref<!tpu.dma_semaphore, #tpu.memory_space<semaphore_mem>>, %arg15: memref<!tpu.dma_semaphore, #tpu.memory_space<semaphore_mem>>, %arg16: memref<!tpu.dma_semaphore, #tpu.memory_space<semaphore_mem>>, %arg17: memref<!tpu.dma_semaphore, #tpu.memory_space<semaphore_mem>>, %arg18: memref<!tpu.dma_semaphore, #tpu.memory_space<semaphore_mem>>, %arg19: memref<!tpu.dma_semaphore, #tpu.memory_space<semaphore_mem>>, %arg20: memref<!tpu.dma_semaphore, #tpu.memory_space<semaphore_mem>>, %arg21: memref<!tpu.dma_semaphore, #tpu.memory_space<semaphore_mem>>) attributes {dimension_semantics = [#tpu.dimension_semantics<core_parallel>, #tpu.dimension_semantics<subcore_parallel>], iteration_bounds = array<i64: 2, 16>, scalar_prefetch = 0 : i64, scratch_operands = 16 : i64, tpu.core_type = #tpu.core_type<sc_vector_subcore>, window_params = [{transform_indices = #map}, {transform_indices = #map1}, {transform_indices = #map2}, {transform_indices = #map2}]} {
    %broadcast_in_dim3A = arith.constant 0.000000e+00 : f32
    %broadcast_in_dim3A_0 = vector.broadcast %broadcast_in_dim3A : f32 to vector<16xf32>
    %scan3A = arith.constant 0 : i32
    %scan3A_1 = arith.constant 0 : i32
    %scan3A_2 = arith.constant 128 : i32
    %scan3A_3 = arith.addi %scan3A_1, %scan3A_2 : i32
    %scan3A_4 = arith.constant 1 : i32
    scf.for %scan3A_105 = %scan3A_1 to %scan3A_3 step %scan3A_4  : i32 {
      %swap3A = arith.index_cast %scan3A_105 : i32 to index
      %swap3A_106 = arith.constant 0 : index
      %swap3A_107 = tpu.vector_load %arg12[%swap3A, %swap3A_106] {strides = array<i32>} : memref<128x64xf32, #tpu.memory_space<vmem>>, vector<1x16xf32>,
      %swap3A_108 = vector.shape_cast %swap3A_107 : vector<1x16xf32> to vector<16xf32>
      %swap3A_109 = vector.shape_cast %broadcast_in_dim3A_0 : vector<16xf32> to vector<1x16xf32>
      tpu.vector_store %arg12[%swap3A, %swap3A_106], %swap3A_109 {strides = array<i32>} : memref<128x64xf32, #tpu.memory_space<vmem>>, vector<1x16xf32>,
      %swap3A_110 = arith.index_cast %scan3A_105 : i32 to index
      %swap3A_111 = arith.constant 16 : index
      %swap3A_112 = tpu.vector_load %arg12[%swap3A_110, %swap3A_111] {strides = array<i32>} : memref<128x64xf32, #tpu.memory_space<vmem>>, vector<1x16xf32>,
      %swap3A_113 = vector.shape_cast %swap3A_112 : vector<1x16xf32> to vector<16xf32>
      %swap3A_114 = vector.shape_cast %broadcast_in_dim3A_0 : vector<16xf32> to vector<1x16xf32>
      tpu.vector_store %arg12[%swap3A_110, %swap3A_111], %swap3A_114 {strides = array<i32>} : memref<128x64xf32, #tpu.memory_space<vmem>>, vector<1x16xf32>,
      %swap3A_115 = arith.index_cast %scan3A_105 : i32 to index
      %swap3A_116 = arith.constant 32 : index
      %swap3A_117 = tpu.vector_load %arg12[%swap3A_115, %swap3A_116] {strides = array<i32>} : memref<128x64xf32, #tpu.memory_space<vmem>>, vector<1x16xf32>,
      %swap3A_118 = vector.shape_cast %swap3A_117 : vector<1x16xf32> to vector<16xf32>
      %swap3A_119 = vector.shape_cast %broadcast_in_dim3A_0 : vector<16xf32> to vector<1x16xf32>
      tpu.vector_store %arg12[%swap3A_115, %swap3A_116], %swap3A_119 {strides = array<i32>} : memref<128x64xf32, #tpu.memory_space<vmem>>, vector<1x16xf32>,
      %swap3A_120 = arith.index_cast %scan3A_105 : i32 to index
      %swap3A_121 = arith.constant 48 : index
      %swap3A_122 = tpu.vector_load %arg12[%swap3A_120, %swap3A_121] {strides = array<i32>} : memref<128x64xf32, #tpu.memory_space<vmem>>, vector<1x16xf32>,
      %swap3A_123 = vector.shape_cast %swap3A_122 : vector<1x16xf32> to vector<16xf32>
      %swap3A_124 = vector.shape_cast %broadcast_in_dim3A_0 : vector<16xf32> to vector<1x16xf32>
      tpu.vector_store %arg12[%swap3A_120, %swap3A_121], %swap3A_124 {strides = array<i32>} : memref<128x64xf32, #tpu.memory_space<vmem>>, vector<1x16xf32>,
    }
    %scan3A_5 = arith.constant 128 : i32
    %mul3A = arith.constant 640 : i32
    %mul3A_6 = arith.muli %arg1, %mul3A : i32
    %add3A = arith.constant 0 : i32
    %add3A_7 = arith.addi %mul3A_6, %add3A : i32
    "tpu.region"() ({
      %run_scoped3A = tpu.sem_alloc : memref<!tpu.dma_semaphore, #tpu.memory_space<semaphore_mem>>
      %dma_start3A_105 = arith.constant 0 : i32
      %dma_start3A_106 = tpu.memref_slice %arg13[%add3A_7, %dma_start3A_105] : memref<10240x64xf32, #tpu.memory_space<vmem_shared>> -> memref<128x64xf32, #tpu.memory_space<vmem_shared>>
      %dma_start3A_107 = arith.constant 0 : i32
      %dma_start3A_108 = tpu.memref_slice %arg13[%add3A_7, %dma_start3A_107] : memref<10240x64xf32, #tpu.memory_space<vmem_shared>> -> memref<128x64xf32, #tpu.memory_space<vmem_shared>>
      tpu.enqueue_dma source(%arg12 : memref<128x64xf32, #tpu.memory_space<vmem>>) target(%dma_start3A_108 : memref<128x64xf32, #tpu.memory_space<vmem_shared>>) target_semaphore(%run_scoped3A : memref<!tpu.dma_semaphore, #tpu.memory_space<semaphore_mem>>)
      %dma_wait3A_109 = arith.constant 0 : i32
      %dma_wait3A_110 = tpu.memref_slice %arg13[%add3A_7, %dma_wait3A_109] : memref<10240x64xf32, #tpu.memory_space<vmem_shared>> -> memref<128x64xf32, #tpu.memory_space<vmem_shared>>
      %dma_wait3A_111 = arith.constant 0 : i32
      %dma_wait3A_112 = tpu.memref_slice %arg13[%add3A_7, %dma_wait3A_111] : memref<10240x64xf32, #tpu.memory_space<vmem_shared>> -> memref<128x64xf32, #tpu.memory_space<vmem_shared>>
      tpu.wait_dma2 semaphore(%run_scoped3A : memref<!tpu.dma_semaphore, #tpu.memory_space<semaphore_mem>>) src(%arg12 : memref<128x64xf32, #tpu.memory_space<vmem>>) dst(%dma_wait3A_112 : memref<128x64xf32, #tpu.memory_space<vmem_shared>>)
      tpu.yield
    }) : () -> ()
    %mul3A_8 = arith.constant 640 : i32
    %mul3A_9 = arith.muli %arg1, %mul3A_8 : i32
    %add3A_10 = arith.constant 128 : i32
    %add3A_11 = arith.addi %mul3A_9, %add3A_10 : i32
    "tpu.region"() ({
      %run_scoped3A = tpu.sem_alloc : memref<!tpu.dma_semaphore, #tpu.memory_space<semaphore_mem>>
      %dma_start3A_105 = arith.constant 0 : i32
      %dma_start3A_106 = tpu.memref_slice %arg13[%add3A_11, %dma_start3A_105] : memref<10240x64xf32, #tpu.memory_space<vmem_shared>> -> memref<128x64xf32, #tpu.memory_space<vmem_shared>>
      %dma_start3A_107 = arith.constant 0 : i32
      %dma_start3A_108 = tpu.memref_slice %arg13[%add3A_11, %dma_start3A_107] : memref<10240x64xf32, #tpu.memory_space<vmem_shared>> -> memref<128x64xf32, #tpu.memory_space<vmem_shared>>
      tpu.enqueue_dma source(%arg12 : memref<128x64xf32, #tpu.memory_space<vmem>>) target(%dma_start3A_108 : memref<128x64xf32, #tpu.memory_space<vmem_shared>>) target_semaphore(%run_scoped3A : memref<!tpu.dma_semaphore, #tpu.memory_space<semaphore_mem>>)
      %dma_wait3A_109 = arith.constant 0 : i32
      %dma_wait3A_110 = tpu.memref_slice %arg13[%add3A_11, %dma_wait3A_109] : memref<10240x64xf32, #tpu.memory_space<vmem_shared>> -> memref<128x64xf32, #tpu.memory_space<vmem_shared>>
      %dma_wait3A_111 = arith.constant 0 : i32
      %dma_wait3A_112 = tpu.memref_slice %arg13[%add3A_11, %dma_wait3A_111] : memref<10240x64xf32, #tpu.memory_space<vmem_shared>> -> memref<128x64xf32, #tpu.memory_space<vmem_shared>>
      tpu.wait_dma2 semaphore(%run_scoped3A : memref<!tpu.dma_semaphore, #tpu.memory_space<semaphore_mem>>) src(%arg12 : memref<128x64xf32, #tpu.memory_space<vmem>>) dst(%dma_wait3A_112 : memref<128x64xf32, #tpu.memory_space<vmem_shared>>)
      tpu.yield
    }) : () -> ()
    %mul3A_12 = arith.constant 640 : i32
    %mul3A_13 = arith.muli %arg1, %mul3A_12 : i32
    %add3A_14 = arith.constant 256 : i32
    %add3A_15 = arith.addi %mul3A_13, %add3A_14 : i32
    "tpu.region"() ({
      %run_scoped3A = tpu.sem_alloc : memref<!tpu.dma_semaphore, #tpu.memory_space<semaphore_mem>>
      %dma_start3A_105 = arith.constant 0 : i32
      %dma_start3A_106 = tpu.memref_slice %arg13[%add3A_15, %dma_start3A_105] : memref<10240x64xf32, #tpu.memory_space<vmem_shared>> -> memref<128x64xf32, #tpu.memory_space<vmem_shared>>
      %dma_start3A_107 = arith.constant 0 : i32
      %dma_start3A_108 = tpu.memref_slice %arg13[%add3A_15, %dma_start3A_107] : memref<10240x64xf32, #tpu.memory_space<vmem_shared>> -> memref<128x64xf32, #tpu.memory_space<vmem_shared>>
      tpu.enqueue_dma source(%arg12 : memref<128x64xf32, #tpu.memory_space<vmem>>) target(%dma_start3A_108 : memref<128x64xf32, #tpu.memory_space<vmem_shared>>) target_semaphore(%run_scoped3A : memref<!tpu.dma_semaphore, #tpu.memory_space<semaphore_mem>>)
      %dma_wait3A_109 = arith.constant 0 : i32
      %dma_wait3A_110 = tpu.memref_slice %arg13[%add3A_15, %dma_wait3A_109] : memref<10240x64xf32, #tpu.memory_space<vmem_shared>> -> memref<128x64xf32, #tpu.memory_space<vmem_shared>>
      %dma_wait3A_111 = arith.constant 0 : i32
      %dma_wait3A_112 = tpu.memref_slice %arg13[%add3A_15, %dma_wait3A_111] : memref<10240x64xf32, #tpu.memory_space<vmem_shared>> -> memref<128x64xf32, #tpu.memory_space<vmem_shared>>
      tpu.wait_dma2 semaphore(%run_scoped3A : memref<!tpu.dma_semaphore, #tpu.memory_space<semaphore_mem>>) src(%arg12 : memref<128x64xf32, #tpu.memory_space<vmem>>) dst(%dma_wait3A_112 : memref<128x64xf32, #tpu.memory_space<vmem_shared>>)
      tpu.yield
    }) : () -> ()
    %mul3A_16 = arith.constant 640 : i32
    %mul3A_17 = arith.muli %arg1, %mul3A_16 : i32
    %add3A_18 = arith.constant 384 : i32
    %add3A_19 = arith.addi %mul3A_17, %add3A_18 : i32
    "tpu.region"() ({
      %run_scoped3A = tpu.sem_alloc : memref<!tpu.dma_semaphore, #tpu.memory_space<semaphore_mem>>
      %dma_start3A_105 = arith.constant 0 : i32
      %dma_start3A_106 = tpu.memref_slice %arg13[%add3A_19, %dma_start3A_105] : memref<10240x64xf32, #tpu.memory_space<vmem_shared>> -> memref<128x64xf32, #tpu.memory_space<vmem_shared>>
      %dma_start3A_107 = arith.constant 0 : i32
      %dma_start3A_108 = tpu.memref_slice %arg13[%add3A_19, %dma_start3A_107] : memref<10240x64xf32, #tpu.memory_space<vmem_shared>> -> memref<128x64xf32, #tpu.memory_space<vmem_shared>>
      tpu.enqueue_dma source(%arg12 : memref<128x64xf32, #tpu.memory_space<vmem>>) target(%dma_start3A_108 : memref<128x64xf32, #tpu.memory_space<vmem_shared>>) target_semaphore(%run_scoped3A : memref<!tpu.dma_semaphore, #tpu.memory_space<semaphore_mem>>)
      %dma_wait3A_109 = arith.constant 0 : i32
      %dma_wait3A_110 = tpu.memref_slice %arg13[%add3A_19, %dma_wait3A_109] : memref<10240x64xf32, #tpu.memory_space<vmem_shared>> -> memref<128x64xf32, #tpu.memory_space<vmem_shared>>
      %dma_wait3A_111 = arith.constant 0 : i32
      %dma_wait3A_112 = tpu.memref_slice %arg13[%add3A_19, %dma_wait3A_111] : memref<10240x64xf32, #tpu.memory_space<vmem_shared>> -> memref<128x64xf32, #tpu.memory_space<vmem_shared>>
      tpu.wait_dma2 semaphore(%run_scoped3A : memref<!tpu.dma_semaphore, #tpu.memory_space<semaphore_mem>>) src(%arg12 : memref<128x64xf32, #tpu.memory_space<vmem>>) dst(%dma_wait3A_112 : memref<128x64xf32, #tpu.memory_space<vmem_shared>>)
      tpu.yield
    }) : () -> ()
    %mul3A_20 = arith.constant 640 : i32
    %mul3A_21 = arith.muli %arg1, %mul3A_20 : i32
    %add3A_22 = arith.constant 512 : i32
    %add3A_23 = arith.addi %mul3A_21, %add3A_22 : i32
    "tpu.region"() ({
      %run_scoped3A = tpu.sem_alloc : memref<!tpu.dma_semaphore, #tpu.memory_space<semaphore_mem>>
      %dma_start3A_105 = arith.constant 0 : i32
      %dma_start3A_106 = tpu.memref_slice %arg13[%add3A_23, %dma_start3A_105] : memref<10240x64xf32, #tpu.memory_space<vmem_shared>> -> memref<128x64xf32, #tpu.memory_space<vmem_shared>>
      %dma_start3A_107 = arith.constant 0 : i32
      %dma_start3A_108 = tpu.memref_slice %arg13[%add3A_23, %dma_start3A_107] : memref<10240x64xf32, #tpu.memory_space<vmem_shared>> -> memref<128x64xf32, #tpu.memory_space<vmem_shared>>
      tpu.enqueue_dma source(%arg12 : memref<128x64xf32, #tpu.memory_space<vmem>>) target(%dma_start3A_108 : memref<128x64xf32, #tpu.memory_space<vmem_shared>>) target_semaphore(%run_scoped3A : memref<!tpu.dma_semaphore, #tpu.memory_space<semaphore_mem>>)
      %dma_wait3A_109 = arith.constant 0 : i32
      %dma_wait3A_110 = tpu.memref_slice %arg13[%add3A_23, %dma_wait3A_109] : memref<10240x64xf32, #tpu.memory_space<vmem_shared>> -> memref<128x64xf32, #tpu.memory_space<vmem_shared>>
      %dma_wait3A_111 = arith.constant 0 : i32
      %dma_wait3A_112 = tpu.memref_slice %arg13[%add3A_23, %dma_wait3A_111] : memref<10240x64xf32, #tpu.memory_space<vmem_shared>> -> memref<128x64xf32, #tpu.memory_space<vmem_shared>>
      tpu.wait_dma2 semaphore(%run_scoped3A : memref<!tpu.dma_semaphore, #tpu.memory_space<semaphore_mem>>) src(%arg12 : memref<128x64xf32, #tpu.memory_space<vmem>>) dst(%dma_wait3A_112 : memref<128x64xf32, #tpu.memory_space<vmem_shared>>)
      tpu.yield
    }) : () -> ()
    "tpu.region"() ({
      %run_scoped3A = tpu.sem_alloc : memref<!tpu.dma_semaphore, #tpu.memory_space<semaphore_mem>>
      %dma_start3A_105 = arith.constant 0 : i32
      %dma_start3A_106 = arith.constant 0 : i32
      %dma_start3A_107 = tpu.memref_slice %arg3[%arg0, %arg1, %dma_start3A_105, %dma_start3A_106] : memref<2x16x160x125xi32, #tpu.memory_space<hbm>> -> memref<1x1x160x125xi32, #tpu.memory_space<hbm>>
      %dma_start3A_108 = tpu.memref_squeeze %dma_start3A_107 : memref<1x1x160x125xi32, #tpu.memory_space<hbm>> -> memref<160x125xi32, #tpu.memory_space<hbm>>
      %dma_start3A_109 = arith.constant 0 : i32
      %dma_start3A_110 = arith.constant 0 : i32
      %dma_start3A_111 = tpu.memref_slice %arg3[%arg0, %arg1, %dma_start3A_109, %dma_start3A_110] : memref<2x16x160x125xi32, #tpu.memory_space<hbm>> -> memref<1x1x160x125xi32, #tpu.memory_space<hbm>>
      %dma_start3A_112 = tpu.memref_squeeze %dma_start3A_111 : memref<1x1x160x125xi32, #tpu.memory_space<hbm>> -> memref<160x125xi32, #tpu.memory_space<hbm>>
      tpu.enqueue_dma source(%dma_start3A_112 : memref<160x125xi32, #tpu.memory_space<hbm>>) target(%arg6 : memref<160x125xi32, #tpu.memory_space<vmem>>) target_semaphore(%run_scoped3A : memref<!tpu.dma_semaphore, #tpu.memory_space<semaphore_mem>>)
      %dma_wait3A_113 = arith.constant 0 : i32
      %dma_wait3A_114 = arith.constant 0 : i32
      %dma_wait3A_115 = tpu.memref_slice %arg3[%arg0, %arg1, %dma_wait3A_113, %dma_wait3A_114] : memref<2x16x160x125xi32, #tpu.memory_space<hbm>> -> memref<1x1x160x125xi32, #tpu.memory_space<hbm>>
      %dma_wait3A_116 = tpu.memref_squeeze %dma_wait3A_115 : memref<1x1x160x125xi32, #tpu.memory_space<hbm>> -> memref<160x125xi32, #tpu.memory_space<hbm>>
      %dma_wait3A_117 = arith.constant 0 : i32
      %dma_wait3A_118 = arith.constant 0 : i32
      %dma_wait3A_119 = tpu.memref_slice %arg3[%arg0, %arg1, %dma_wait3A_117, %dma_wait3A_118] : memref<2x16x160x125xi32, #tpu.memory_space<hbm>> -> memref<1x1x160x125xi32, #tpu.memory_space<hbm>>
      %dma_wait3A_120 = tpu.memref_squeeze %dma_wait3A_119 : memref<1x1x160x125xi32, #tpu.memory_space<hbm>> -> memref<160x125xi32, #tpu.memory_space<hbm>>
      tpu.wait_dma2 semaphore(%run_scoped3A : memref<!tpu.dma_semaphore, #tpu.memory_space<semaphore_mem>>) src(%dma_wait3A_120 : memref<160x125xi32, #tpu.memory_space<hbm>>) dst(%arg6 : memref<160x125xi32, #tpu.memory_space<vmem>>)
      tpu.yield
    }) : () -> ()
    "tpu.region"() ({
      %run_scoped3A = tpu.sem_alloc : memref<!tpu.dma_semaphore, #tpu.memory_space<semaphore_mem>>
      %dma_start3A_105 = arith.constant 0 : i32
      %dma_start3A_106 = arith.constant 0 : i32
      %dma_start3A_107 = tpu.memref_slice %arg4[%arg1, %dma_start3A_105, %dma_start3A_106] : memref<16x160x125xi32, #tpu.memory_space<hbm>> -> memref<1x160x125xi32, #tpu.memory_space<hbm>>
      %dma_start3A_108 = tpu.memref_squeeze %dma_start3A_107 : memref<1x160x125xi32, #tpu.memory_space<hbm>> -> memref<160x125xi32, #tpu.memory_space<hbm>>
      %dma_start3A_109 = arith.constant 0 : i32
      %dma_start3A_110 = arith.constant 0 : i32
      %dma_start3A_111 = tpu.memref_slice %arg4[%arg1, %dma_start3A_109, %dma_start3A_110] : memref<16x160x125xi32, #tpu.memory_space<hbm>> -> memref<1x160x125xi32, #tpu.memory_space<hbm>>
      %dma_start3A_112 = tpu.memref_squeeze %dma_start3A_111 : memref<1x160x125xi32, #tpu.memory_space<hbm>> -> memref<160x125xi32, #tpu.memory_space<hbm>>
      tpu.enqueue_dma source(%dma_start3A_112 : memref<160x125xi32, #tpu.memory_space<hbm>>) target(%arg7 : memref<160x125xi32, #tpu.memory_space<vmem>>) target_semaphore(%run_scoped3A : memref<!tpu.dma_semaphore, #tpu.memory_space<semaphore_mem>>)
      %dma_wait3A_113 = arith.constant 0 : i32
      %dma_wait3A_114 = arith.constant 0 : i32
      %dma_wait3A_115 = tpu.memref_slice %arg4[%arg1, %dma_wait3A_113, %dma_wait3A_114] : memref<16x160x125xi32, #tpu.memory_space<hbm>> -> memref<1x160x125xi32, #tpu.memory_space<hbm>>
      %dma_wait3A_116 = tpu.memref_squeeze %dma_wait3A_115 : memref<1x160x125xi32, #tpu.memory_space<hbm>> -> memref<160x125xi32, #tpu.memory_space<hbm>>
      %dma_wait3A_117 = arith.constant 0 : i32
      %dma_wait3A_118 = arith.constant 0 : i32
      %dma_wait3A_119 = tpu.memref_slice %arg4[%arg1, %dma_wait3A_117, %dma_wait3A_118] : memref<16x160x125xi32, #tpu.memory_space<hbm>> -> memref<1x160x125xi32, #tpu.memory_space<hbm>>
      %dma_wait3A_120 = tpu.memref_squeeze %dma_wait3A_119 : memref<1x160x125xi32, #tpu.memory_space<hbm>> -> memref<160x125xi32, #tpu.memory_space<hbm>>
      tpu.wait_dma2 semaphore(%run_scoped3A : memref<!tpu.dma_semaphore, #tpu.memory_space<semaphore_mem>>) src(%dma_wait3A_120 : memref<160x125xi32, #tpu.memory_space<hbm>>) dst(%arg7 : memref<160x125xi32, #tpu.memory_space<vmem>>)
      tpu.yield
    }) : () -> ()
    %barrier3A = arith.constant 0 : index
    tpu.barrier barrier_id(%barrier3A)
    %dma_start3A = arith.constant 0 : i32
    %dma_start3A_24 = arith.constant 0 : i32
    %dma_start3A_25 = tpu.memref_slice %arg6[%dma_start3A, %dma_start3A_24] : memref<160x125xi32, #tpu.memory_space<vmem>> -> memref<1x125xi32, #tpu.memory_space<vmem>>
    %dma_start3A_26 = tpu.memref_squeeze %dma_start3A_25 : memref<1x125xi32, #tpu.memory_space<vmem>> -> memref<125xi32, #tpu.memory_space<vmem>>
    %dma_start3A_27 = arith.constant 0 : i32
    %dma_start3A_28 = arith.constant 0 : i32
    %dma_start3A_29 = tpu.memref_slice %arg2[%dma_start3A_27, %dma_start3A_28] : memref<20000x64xf32, #tpu.memory_space<hbm>> -> memref<20000x64xf32, #tpu.memory_space<hbm>>
    tpu.enqueue_indirect_dma source(%dma_start3A_29 : memref<20000x64xf32, #tpu.memory_space<hbm>>) target(%arg8 : memref<125x64xf32, #tpu.memory_space<vmem>>) offsets(%dma_start3A_26 : memref<125xi32, #tpu.memory_space<vmem>>) semaphore(%arg14 : memref<!tpu.dma_semaphore, #tpu.memory_space<semaphore_mem>>)
    %dma_start3A_30 = arith.constant 1 : i32
    %dma_start3A_31 = arith.constant 0 : i32
    %dma_start3A_32 = tpu.memref_slice %arg6[%dma_start3A_30, %dma_start3A_31] : memref<160x125xi32, #tpu.memory_space<vmem>> -> memref<1x125xi32, #tpu.memory_space<vmem>>
    %dma_start3A_33 = tpu.memref_squeeze %dma_start3A_32 : memref<1x125xi32, #tpu.memory_space<vmem>> -> memref<125xi32, #tpu.memory_space<vmem>>
    %dma_start3A_34 = arith.constant 0 : i32
    %dma_start3A_35 = arith.constant 0 : i32
    %dma_start3A_36 = tpu.memref_slice %arg2[%dma_start3A_34, %dma_start3A_35] : memref<20000x64xf32, #tpu.memory_space<hbm>> -> memref<20000x64xf32, #tpu.memory_space<hbm>>
    tpu.enqueue_indirect_dma source(%dma_start3A_36 : memref<20000x64xf32, #tpu.memory_space<hbm>>) target(%arg9 : memref<125x64xf32, #tpu.memory_space<vmem>>) offsets(%dma_start3A_33 : memref<125xi32, #tpu.memory_space<vmem>>) semaphore(%arg15 : memref<!tpu.dma_semaphore, #tpu.memory_space<semaphore_mem>>)
    %dma_start3A_37 = arith.constant 2 : i32
    %dma_start3A_38 = arith.constant 0 : i32
    %dma_start3A_39 = tpu.memref_slice %arg6[%dma_start3A_37, %dma_start3A_38] : memref<160x125xi32, #tpu.memory_space<vmem>> -> memref<1x125xi32, #tpu.memory_space<vmem>>
    %dma_start3A_40 = tpu.memref_squeeze %dma_start3A_39 : memref<1x125xi32, #tpu.memory_space<vmem>> -> memref<125xi32, #tpu.memory_space<vmem>>
    %dma_start3A_41 = arith.constant 0 : i32
    %dma_start3A_42 = arith.constant 0 : i32
    %dma_start3A_43 = tpu.memref_slice %arg2[%dma_start3A_41, %dma_start3A_42] : memref<20000x64xf32, #tpu.memory_space<hbm>> -> memref<20000x64xf32, #tpu.memory_space<hbm>>
    tpu.enqueue_indirect_dma source(%dma_start3A_43 : memref<20000x64xf32, #tpu.memory_space<hbm>>) target(%arg10 : memref<125x64xf32, #tpu.memory_space<vmem>>) offsets(%dma_start3A_40 : memref<125xi32, #tpu.memory_space<vmem>>) semaphore(%arg16 : memref<!tpu.dma_semaphore, #tpu.memory_space<semaphore_mem>>)
    %dma_start3A_44 = arith.constant 3 : i32
    %dma_start3A_45 = arith.constant 0 : i32
    %dma_start3A_46 = tpu.memref_slice %arg6[%dma_start3A_44, %dma_start3A_45] : memref<160x125xi32, #tpu.memory_space<vmem>> -> memref<1x125xi32, #tpu.memory_space<vmem>>
    %dma_start3A_47 = tpu.memref_squeeze %dma_start3A_46 : memref<1x125xi32, #tpu.memory_space<vmem>> -> memref<125xi32, #tpu.memory_space<vmem>>
    %dma_start3A_48 = arith.constant 0 : i32
    %dma_start3A_49 = arith.constant 0 : i32
    %dma_start3A_50 = tpu.memref_slice %arg2[%dma_start3A_48, %dma_start3A_49] : memref<20000x64xf32, #tpu.memory_space<hbm>> -> memref<20000x64xf32, #tpu.memory_space<hbm>>
    tpu.enqueue_indirect_dma source(%dma_start3A_50 : memref<20000x64xf32, #tpu.memory_space<hbm>>) target(%arg11 : memref<125x64xf32, #tpu.memory_space<vmem>>) offsets(%dma_start3A_47 : memref<125xi32, #tpu.memory_space<vmem>>) semaphore(%arg17 : memref<!tpu.dma_semaphore, #tpu.memory_space<semaphore_mem>>)
    %scan3A_51 = arith.constant 0 : i32
    %scan3A_52 = arith.constant 0 : i32
    %scan3A_53 = arith.constant 40 : i32
    %scan3A_54 = arith.addi %scan3A_52, %scan3A_53 : i32
    %scan3A_55 = arith.constant 1 : i32
    scf.for %scan3A_105 = %scan3A_52 to %scan3A_54 step %scan3A_55  : i32 {
      %mul3A_106 = arith.constant 4 : i32
      %mul3A_107 = arith.muli %mul3A_106, %scan3A_105 : i32
      %dma_wait3A_108 = arith.constant 0 : i32
      %dma_wait3A_109 = arith.constant 0 : i32
      %dma_wait3A_110 = tpu.memref_slice %arg6[%dma_wait3A_108, %dma_wait3A_109] : memref<160x125xi32, #tpu.memory_space<vmem>> -> memref<1x125xi32, #tpu.memory_space<vmem>>
      %dma_wait3A_111 = tpu.memref_squeeze %dma_wait3A_110 : memref<1x125xi32, #tpu.memory_space<vmem>> -> memref<125xi32, #tpu.memory_space<vmem>>
      %dma_wait3A_112 = arith.constant 0 : i32
      %dma_wait3A_113 = arith.constant 0 : i32
      %dma_wait3A_114 = tpu.memref_slice %arg2[%dma_wait3A_112, %dma_wait3A_113] : memref<20000x64xf32, #tpu.memory_space<hbm>> -> memref<20000x64xf32, #tpu.memory_space<hbm>>
      tpu.wait_indirect_dma semaphore(%arg14 : memref<!tpu.dma_semaphore, #tpu.memory_space<semaphore_mem>>) src(%dma_wait3A_114 : memref<20000x64xf32, #tpu.memory_space<hbm>>) dst(%arg8 : memref<125x64xf32, #tpu.memory_space<vmem>>)
      %add3A_115 = arith.constant 0 : i32
      %add3A_116 = arith.addi %mul3A_107, %add3A_115 : i32
      %dma_start3A_117 = arith.constant 0 : i32
      %dma_start3A_118 = tpu.memref_slice %arg7[%add3A_116, %dma_start3A_117] : memref<160x125xi32, #tpu.memory_space<vmem>> -> memref<1x125xi32, #tpu.memory_space<vmem>>
      %dma_start3A_119 = tpu.memref_squeeze %dma_start3A_118 : memref<1x125xi32, #tpu.memory_space<vmem>> -> memref<125xi32, #tpu.memory_space<vmem>>
      %dma_start3A_120 = arith.constant 0 : i32
      %dma_start3A_121 = arith.constant 0 : i32
      %dma_start3A_122 = tpu.memref_slice %arg13[%dma_start3A_120, %dma_start3A_121] : memref<10240x64xf32, #tpu.memory_space<vmem_shared>> -> memref<10240x64xf32, #tpu.memory_space<vmem_shared>>
      tpu.enqueue_indirect_dma source(%arg8 : memref<125x64xf32, #tpu.memory_space<vmem>>) target(%dma_start3A_122 : memref<10240x64xf32, #tpu.memory_space<vmem_shared>>) offsets(%dma_start3A_119 : memref<125xi32, #tpu.memory_space<vmem>>) semaphore(%arg18 : memref<!tpu.dma_semaphore, #tpu.memory_space<semaphore_mem>>) {add = true}
      %dma_wait3A_123 = arith.constant 0 : i32
      %dma_wait3A_124 = arith.constant 0 : i32
      %dma_wait3A_125 = tpu.memref_slice %arg6[%dma_wait3A_123, %dma_wait3A_124] : memref<160x125xi32, #tpu.memory_space<vmem>> -> memref<1x125xi32, #tpu.memory_space<vmem>>
      %dma_wait3A_126 = tpu.memref_squeeze %dma_wait3A_125 : memref<1x125xi32, #tpu.memory_space<vmem>> -> memref<125xi32, #tpu.memory_space<vmem>>
      %dma_wait3A_127 = arith.constant 0 : i32
      %dma_wait3A_128 = arith.constant 0 : i32
      %dma_wait3A_129 = tpu.memref_slice %arg2[%dma_wait3A_127, %dma_wait3A_128] : memref<20000x64xf32, #tpu.memory_space<hbm>> -> memref<20000x64xf32, #tpu.memory_space<hbm>>
      tpu.wait_indirect_dma semaphore(%arg15 : memref<!tpu.dma_semaphore, #tpu.memory_space<semaphore_mem>>) src(%dma_wait3A_129 : memref<20000x64xf32, #tpu.memory_space<hbm>>) dst(%arg9 : memref<125x64xf32, #tpu.memory_space<vmem>>)
      %add3A_130 = arith.constant 1 : i32
      %add3A_131 = arith.addi %mul3A_107, %add3A_130 : i32
      %dma_start3A_132 = arith.constant 0 : i32
      %dma_start3A_133 = tpu.memref_slice %arg7[%add3A_131, %dma_start3A_132] : memref<160x125xi32, #tpu.memory_space<vmem>> -> memref<1x125xi32, #tpu.memory_space<vmem>>
      %dma_start3A_134 = tpu.memref_squeeze %dma_start3A_133 : memref<1x125xi32, #tpu.memory_space<vmem>> -> memref<125xi32, #tpu.memory_space<vmem>>
      %dma_start3A_135 = arith.constant 0 : i32
      %dma_start3A_136 = arith.constant 0 : i32
      %dma_start3A_137 = tpu.memref_slice %arg13[%dma_start3A_135, %dma_start3A_136] : memref<10240x64xf32, #tpu.memory_space<vmem_shared>> -> memref<10240x64xf32, #tpu.memory_space<vmem_shared>>
      tpu.enqueue_indirect_dma source(%arg9 : memref<125x64xf32, #tpu.memory_space<vmem>>) target(%dma_start3A_137 : memref<10240x64xf32, #tpu.memory_space<vmem_shared>>) offsets(%dma_start3A_134 : memref<125xi32, #tpu.memory_space<vmem>>) semaphore(%arg19 : memref<!tpu.dma_semaphore, #tpu.memory_space<semaphore_mem>>) {add = true}
      %dma_wait3A_138 = arith.constant 0 : i32
      %dma_wait3A_139 = arith.constant 0 : i32
      %dma_wait3A_140 = tpu.memref_slice %arg6[%dma_wait3A_138, %dma_wait3A_139] : memref<160x125xi32, #tpu.memory_space<vmem>> -> memref<1x125xi32, #tpu.memory_space<vmem>>
      %dma_wait3A_141 = tpu.memref_squeeze %dma_wait3A_140 : memref<1x125xi32, #tpu.memory_space<vmem>> -> memref<125xi32, #tpu.memory_space<vmem>>
      %dma_wait3A_142 = arith.constant 0 : i32
      %dma_wait3A_143 = arith.constant 0 : i32
      %dma_wait3A_144 = tpu.memref_slice %arg2[%dma_wait3A_142, %dma_wait3A_143] : memref<20000x64xf32, #tpu.memory_space<hbm>> -> memref<20000x64xf32, #tpu.memory_space<hbm>>
      tpu.wait_indirect_dma semaphore(%arg16 : memref<!tpu.dma_semaphore, #tpu.memory_space<semaphore_mem>>) src(%dma_wait3A_144 : memref<20000x64xf32, #tpu.memory_space<hbm>>) dst(%arg10 : memref<125x64xf32, #tpu.memory_space<vmem>>)
      %add3A_145 = arith.constant 2 : i32
      %add3A_146 = arith.addi %mul3A_107, %add3A_145 : i32
      %dma_start3A_147 = arith.constant 0 : i32
      %dma_start3A_148 = tpu.memref_slice %arg7[%add3A_146, %dma_start3A_147] : memref<160x125xi32, #tpu.memory_space<vmem>> -> memref<1x125xi32, #tpu.memory_space<vmem>>
      %dma_start3A_149 = tpu.memref_squeeze %dma_start3A_148 : memref<1x125xi32, #tpu.memory_space<vmem>> -> memref<125xi32, #tpu.memory_space<vmem>>
      %dma_start3A_150 = arith.constant 0 : i32
      %dma_start3A_151 = arith.constant 0 : i32
      %dma_start3A_152 = tpu.memref_slice %arg13[%dma_start3A_150, %dma_start3A_151] : memref<10240x64xf32, #tpu.memory_space<vmem_shared>> -> memref<10240x64xf32, #tpu.memory_space<vmem_shared>>
      tpu.enqueue_indirect_dma source(%arg10 : memref<125x64xf32, #tpu.memory_space<vmem>>) target(%dma_start3A_152 : memref<10240x64xf32, #tpu.memory_space<vmem_shared>>) offsets(%dma_start3A_149 : memref<125xi32, #tpu.memory_space<vmem>>) semaphore(%arg20 : memref<!tpu.dma_semaphore, #tpu.memory_space<semaphore_mem>>) {add = true}
      %dma_wait3A_153 = arith.constant 0 : i32
      %dma_wait3A_154 = arith.constant 0 : i32
      %dma_wait3A_155 = tpu.memref_slice %arg6[%dma_wait3A_153, %dma_wait3A_154] : memref<160x125xi32, #tpu.memory_space<vmem>> -> memref<1x125xi32, #tpu.memory_space<vmem>>
      %dma_wait3A_156 = tpu.memref_squeeze %dma_wait3A_155 : memref<1x125xi32, #tpu.memory_space<vmem>> -> memref<125xi32, #tpu.memory_space<vmem>>
      %dma_wait3A_157 = arith.constant 0 : i32
      %dma_wait3A_158 = arith.constant 0 : i32
      %dma_wait3A_159 = tpu.memref_slice %arg2[%dma_wait3A_157, %dma_wait3A_158] : memref<20000x64xf32, #tpu.memory_space<hbm>> -> memref<20000x64xf32, #tpu.memory_space<hbm>>
      tpu.wait_indirect_dma semaphore(%arg17 : memref<!tpu.dma_semaphore, #tpu.memory_space<semaphore_mem>>) src(%dma_wait3A_159 : memref<20000x64xf32, #tpu.memory_space<hbm>>) dst(%arg11 : memref<125x64xf32, #tpu.memory_space<vmem>>)
      %add3A_160 = arith.constant 3 : i32
      %add3A_161 = arith.addi %mul3A_107, %add3A_160 : i32
      %dma_start3A_162 = arith.constant 0 : i32
      %dma_start3A_163 = tpu.memref_slice %arg7[%add3A_161, %dma_start3A_162] : memref<160x125xi32, #tpu.memory_space<vmem>> -> memref<1x125xi32, #tpu.memory_space<vmem>>
      %dma_start3A_164 = tpu.memref_squeeze %dma_start3A_163 : memref<1x125xi32, #tpu.memory_space<vmem>> -> memref<125xi32, #tpu.memory_space<vmem>>
      %dma_start3A_165 = arith.constant 0 : i32
      %dma_start3A_166 = arith.constant 0 : i32
      %dma_start3A_167 = tpu.memref_slice %arg13[%dma_start3A_165, %dma_start3A_166] : memref<10240x64xf32, #tpu.memory_space<vmem_shared>> -> memref<10240x64xf32, #tpu.memory_space<vmem_shared>>
      tpu.enqueue_indirect_dma source(%arg11 : memref<125x64xf32, #tpu.memory_space<vmem>>) target(%dma_start3A_167 : memref<10240x64xf32, #tpu.memory_space<vmem_shared>>) offsets(%dma_start3A_164 : memref<125xi32, #tpu.memory_space<vmem>>) semaphore(%arg21 : memref<!tpu.dma_semaphore, #tpu.memory_space<semaphore_mem>>) {add = true}
      %dma_wait3A_168 = arith.constant 0 : i32
      %dma_wait3A_169 = arith.constant 0 : i32
      %dma_wait3A_170 = tpu.memref_slice %arg7[%dma_wait3A_168, %dma_wait3A_169] : memref<160x125xi32, #tpu.memory_space<vmem>> -> memref<1x125xi32, #tpu.memory_space<vmem>>
      %dma_wait3A_171 = tpu.memref_squeeze %dma_wait3A_170 : memref<1x125xi32, #tpu.memory_space<vmem>> -> memref<125xi32, #tpu.memory_space<vmem>>
      %dma_wait3A_172 = arith.constant 0 : i32
      %dma_wait3A_173 = arith.constant 0 : i32
      %dma_wait3A_174 = tpu.memref_slice %arg13[%dma_wait3A_172, %dma_wait3A_173] : memref<10240x64xf32, #tpu.memory_space<vmem_shared>> -> memref<10240x64xf32, #tpu.memory_space<vmem_shared>>
      tpu.wait_indirect_dma semaphore(%arg18 : memref<!tpu.dma_semaphore, #tpu.memory_space<semaphore_mem>>) src(%arg8 : memref<125x64xf32, #tpu.memory_space<vmem>>) dst(%dma_wait3A_174 : memref<10240x64xf32, #tpu.memory_space<vmem_shared>>)
      %add3A_175 = arith.constant 4 : i32
      %add3A_176 = arith.addi %mul3A_107, %add3A_175 : i32
      %add3A_177 = arith.constant 0 : i32
      %add3A_178 = arith.addi %add3A_176, %add3A_177 : i32
      %min3A = arith.constant 159 : i32
      %min3A_179 = arith.minsi %add3A_178, %min3A : i32
      %dma_start3A_180 = arith.constant 0 : i32
      %dma_start3A_181 = tpu.memref_slice %arg6[%min3A_179, %dma_start3A_180] : memref<160x125xi32, #tpu.memory_space<vmem>> -> memref<1x125xi32, #tpu.memory_space<vmem>>
      %dma_start3A_182 = tpu.memref_squeeze %dma_start3A_181 : memref<1x125xi32, #tpu.memory_space<vmem>> -> memref<125xi32, #tpu.memory_space<vmem>>
      %dma_start3A_183 = arith.constant 0 : i32
      %dma_start3A_184 = arith.constant 0 : i32
      %dma_start3A_185 = tpu.memref_slice %arg2[%dma_start3A_183, %dma_start3A_184] : memref<20000x64xf32, #tpu.memory_space<hbm>> -> memref<20000x64xf32, #tpu.memory_space<hbm>>
      tpu.enqueue_indirect_dma source(%dma_start3A_185 : memref<20000x64xf32, #tpu.memory_space<hbm>>) target(%arg8 : memref<125x64xf32, #tpu.memory_space<vmem>>) offsets(%dma_start3A_182 : memref<125xi32, #tpu.memory_space<vmem>>) semaphore(%arg14 : memref<!tpu.dma_semaphore, #tpu.memory_space<semaphore_mem>>)
      %dma_wait3A_186 = arith.constant 0 : i32
      %dma_wait3A_187 = arith.constant 0 : i32
      %dma_wait3A_188 = tpu.memref_slice %arg7[%dma_wait3A_186, %dma_wait3A_187] : memref<160x125xi32, #tpu.memory_space<vmem>> -> memref<1x125xi32, #tpu.memory_space<vmem>>
      %dma_wait3A_189 = tpu.memref_squeeze %dma_wait3A_188 : memref<1x125xi32, #tpu.memory_space<vmem>> -> memref<125xi32, #tpu.memory_space<vmem>>
      %dma_wait3A_190 = arith.constant 0 : i32
      %dma_wait3A_191 = arith.constant 0 : i32
      %dma_wait3A_192 = tpu.memref_slice %arg13[%dma_wait3A_190, %dma_wait3A_191] : memref<10240x64xf32, #tpu.memory_space<vmem_shared>> -> memref<10240x64xf32, #tpu.memory_space<vmem_shared>>
      tpu.wait_indirect_dma semaphore(%arg19 : memref<!tpu.dma_semaphore, #tpu.memory_space<semaphore_mem>>) src(%arg9 : memref<125x64xf32, #tpu.memory_space<vmem>>) dst(%dma_wait3A_192 : memref<10240x64xf32, #tpu.memory_space<vmem_shared>>)
      %add3A_193 = arith.constant 4 : i32
      %add3A_194 = arith.addi %mul3A_107, %add3A_193 : i32
      %add3A_195 = arith.constant 1 : i32
      %add3A_196 = arith.addi %add3A_194, %add3A_195 : i32
      %min3A_197 = arith.constant 159 : i32
      %min3A_198 = arith.minsi %add3A_196, %min3A_197 : i32
      %dma_start3A_199 = arith.constant 0 : i32
      %dma_start3A_200 = tpu.memref_slice %arg6[%min3A_198, %dma_start3A_199] : memref<160x125xi32, #tpu.memory_space<vmem>> -> memref<1x125xi32, #tpu.memory_space<vmem>>
      %dma_start3A_201 = tpu.memref_squeeze %dma_start3A_200 : memref<1x125xi32, #tpu.memory_space<vmem>> -> memref<125xi32, #tpu.memory_space<vmem>>
      %dma_start3A_202 = arith.constant 0 : i32
      %dma_start3A_203 = arith.constant 0 : i32
      %dma_start3A_204 = tpu.memref_slice %arg2[%dma_start3A_202, %dma_start3A_203] : memref<20000x64xf32, #tpu.memory_space<hbm>> -> memref<20000x64xf32, #tpu.memory_space<hbm>>
      tpu.enqueue_indirect_dma source(%dma_start3A_204 : memref<20000x64xf32, #tpu.memory_space<hbm>>) target(%arg9 : memref<125x64xf32, #tpu.memory_space<vmem>>) offsets(%dma_start3A_201 : memref<125xi32, #tpu.memory_space<vmem>>) semaphore(%arg15 : memref<!tpu.dma_semaphore, #tpu.memory_space<semaphore_mem>>)
      %dma_wait3A_205 = arith.constant 0 : i32
      %dma_wait3A_206 = arith.constant 0 : i32
      %dma_wait3A_207 = tpu.memref_slice %arg7[%dma_wait3A_205, %dma_wait3A_206] : memref<160x125xi32, #tpu.memory_space<vmem>> -> memref<1x125xi32, #tpu.memory_space<vmem>>
      %dma_wait3A_208 = tpu.memref_squeeze %dma_wait3A_207 : memref<1x125xi32, #tpu.memory_space<vmem>> -> memref<125xi32, #tpu.memory_space<vmem>>
      %dma_wait3A_209 = arith.constant 0 : i32
      %dma_wait3A_210 = arith.constant 0 : i32
      %dma_wait3A_211 = tpu.memref_slice %arg13[%dma_wait3A_209, %dma_wait3A_210] : memref<10240x64xf32, #tpu.memory_space<vmem_shared>> -> memref<10240x64xf32, #tpu.memory_space<vmem_shared>>
      tpu.wait_indirect_dma semaphore(%arg20 : memref<!tpu.dma_semaphore, #tpu.memory_space<semaphore_mem>>) src(%arg10 : memref<125x64xf32, #tpu.memory_space<vmem>>) dst(%dma_wait3A_211 : memref<10240x64xf32, #tpu.memory_space<vmem_shared>>)
      %add3A_212 = arith.constant 4 : i32
      %add3A_213 = arith.addi %mul3A_107, %add3A_212 : i32
      %add3A_214 = arith.constant 2 : i32
      %add3A_215 = arith.addi %add3A_213, %add3A_214 : i32
      %min3A_216 = arith.constant 159 : i32
      %min3A_217 = arith.minsi %add3A_215, %min3A_216 : i32
      %dma_start3A_218 = arith.constant 0 : i32
      %dma_start3A_219 = tpu.memref_slice %arg6[%min3A_217, %dma_start3A_218] : memref<160x125xi32, #tpu.memory_space<vmem>> -> memref<1x125xi32, #tpu.memory_space<vmem>>
      %dma_start3A_220 = tpu.memref_squeeze %dma_start3A_219 : memref<1x125xi32, #tpu.memory_space<vmem>> -> memref<125xi32, #tpu.memory_space<vmem>>
      %dma_start3A_221 = arith.constant 0 : i32
      %dma_start3A_222 = arith.constant 0 : i32
      %dma_start3A_223 = tpu.memref_slice %arg2[%dma_start3A_221, %dma_start3A_222] : memref<20000x64xf32, #tpu.memory_space<hbm>> -> memref<20000x64xf32, #tpu.memory_space<hbm>>
      tpu.enqueue_indirect_dma source(%dma_start3A_223 : memref<20000x64xf32, #tpu.memory_space<hbm>>) target(%arg10 : memref<125x64xf32, #tpu.memory_space<vmem>>) offsets(%dma_start3A_220 : memref<125xi32, #tpu.memory_space<vmem>>) semaphore(%arg16 : memref<!tpu.dma_semaphore, #tpu.memory_space<semaphore_mem>>)
      %dma_wait3A_224 = arith.constant 0 : i32
      %dma_wait3A_225 = arith.constant 0 : i32
      %dma_wait3A_226 = tpu.memref_slice %arg7[%dma_wait3A_224, %dma_wait3A_225] : memref<160x125xi32, #tpu.memory_space<vmem>> -> memref<1x125xi32, #tpu.memory_space<vmem>>
      %dma_wait3A_227 = tpu.memref_squeeze %dma_wait3A_226 : memref<1x125xi32, #tpu.memory_space<vmem>> -> memref<125xi32, #tpu.memory_space<vmem>>
      %dma_wait3A_228 = arith.constant 0 : i32
      %dma_wait3A_229 = arith.constant 0 : i32
      %dma_wait3A_230 = tpu.memref_slice %arg13[%dma_wait3A_228, %dma_wait3A_229] : memref<10240x64xf32, #tpu.memory_space<vmem_shared>> -> memref<10240x64xf32, #tpu.memory_space<vmem_shared>>
      tpu.wait_indirect_dma semaphore(%arg21 : memref<!tpu.dma_semaphore, #tpu.memory_space<semaphore_mem>>) src(%arg11 : memref<125x64xf32, #tpu.memory_space<vmem>>) dst(%dma_wait3A_230 : memref<10240x64xf32, #tpu.memory_space<vmem_shared>>)
      %add3A_231 = arith.constant 4 : i32
      %add3A_232 = arith.addi %mul3A_107, %add3A_231 : i32
      %add3A_233 = arith.constant 3 : i32
      %add3A_234 = arith.addi %add3A_232, %add3A_233 : i32
      %min3A_235 = arith.constant 159 : i32
      %min3A_236 = arith.minsi %add3A_234, %min3A_235 : i32
      %dma_start3A_237 = arith.constant 0 : i32
      %dma_start3A_238 = tpu.memref_slice %arg6[%min3A_236, %dma_start3A_237] : memref<160x125xi32, #tpu.memory_space<vmem>> -> memref<1x125xi32, #tpu.memory_space<vmem>>
      %dma_start3A_239 = tpu.memref_squeeze %dma_start3A_238 : memref<1x125xi32, #tpu.memory_space<vmem>> -> memref<125xi32, #tpu.memory_space<vmem>>
      %dma_start3A_240 = arith.constant 0 : i32
      %dma_start3A_241 = arith.constant 0 : i32
      %dma_start3A_242 = tpu.memref_slice %arg2[%dma_start3A_240, %dma_start3A_241] : memref<20000x64xf32, #tpu.memory_space<hbm>> -> memref<20000x64xf32, #tpu.memory_space<hbm>>
      tpu.enqueue_indirect_dma source(%dma_start3A_242 : memref<20000x64xf32, #tpu.memory_space<hbm>>) target(%arg11 : memref<125x64xf32, #tpu.memory_space<vmem>>) offsets(%dma_start3A_239 : memref<125xi32, #tpu.memory_space<vmem>>) semaphore(%arg17 : memref<!tpu.dma_semaphore, #tpu.memory_space<semaphore_mem>>)
    }
    %scan3A_56 = arith.constant 40 : i32
    %dma_wait3A = arith.constant 0 : i32
    %dma_wait3A_57 = arith.constant 0 : i32
    %dma_wait3A_58 = tpu.memref_slice %arg6[%dma_wait3A, %dma_wait3A_57] : memref<160x125xi32, #tpu.memory_space<vmem>> -> memref<1x125xi32, #tpu.memory_space<vmem>>
    %dma_wait3A_59 = tpu.memref_squeeze %dma_wait3A_58 : memref<1x125xi32, #tpu.memory_space<vmem>> -> memref<125xi32, #tpu.memory_space<vmem>>
    %dma_wait3A_60 = arith.constant 0 : i32
    %dma_wait3A_61 = arith.constant 0 : i32
    %dma_wait3A_62 = tpu.memref_slice %arg2[%dma_wait3A_60, %dma_wait3A_61] : memref<20000x64xf32, #tpu.memory_space<hbm>> -> memref<20000x64xf32, #tpu.memory_space<hbm>>
    tpu.wait_indirect_dma semaphore(%arg14 : memref<!tpu.dma_semaphore, #tpu.memory_space<semaphore_mem>>) src(%dma_wait3A_62 : memref<20000x64xf32, #tpu.memory_space<hbm>>) dst(%arg8 : memref<125x64xf32, #tpu.memory_space<vmem>>)
    %dma_wait3A_63 = arith.constant 0 : i32
    %dma_wait3A_64 = arith.constant 0 : i32
    %dma_wait3A_65 = tpu.memref_slice %arg6[%dma_wait3A_63, %dma_wait3A_64] : memref<160x125xi32, #tpu.memory_space<vmem>> -> memref<1x125xi32, #tpu.memory_space<vmem>>
    %dma_wait3A_66 = tpu.memref_squeeze %dma_wait3A_65 : memref<1x125xi32, #tpu.memory_space<vmem>> -> memref<125xi32, #tpu.memory_space<vmem>>
    %dma_wait3A_67 = arith.constant 0 : i32
    %dma_wait3A_68 = arith.constant 0 : i32
    %dma_wait3A_69 = tpu.memref_slice %arg2[%dma_wait3A_67, %dma_wait3A_68] : memref<20000x64xf32, #tpu.memory_space<hbm>> -> memref<20000x64xf32, #tpu.memory_space<hbm>>
    tpu.wait_indirect_dma semaphore(%arg15 : memref<!tpu.dma_semaphore, #tpu.memory_space<semaphore_mem>>) src(%dma_wait3A_69 : memref<20000x64xf32, #tpu.memory_space<hbm>>) dst(%arg9 : memref<125x64xf32, #tpu.memory_space<vmem>>)
    %dma_wait3A_70 = arith.constant 0 : i32
    %dma_wait3A_71 = arith.constant 0 : i32
    %dma_wait3A_72 = tpu.memref_slice %arg6[%dma_wait3A_70, %dma_wait3A_71] : memref<160x125xi32, #tpu.memory_space<vmem>> -> memref<1x125xi32, #tpu.memory_space<vmem>>
    %dma_wait3A_73 = tpu.memref_squeeze %dma_wait3A_72 : memref<1x125xi32, #tpu.memory_space<vmem>> -> memref<125xi32, #tpu.memory_space<vmem>>
    %dma_wait3A_74 = arith.constant 0 : i32
    %dma_wait3A_75 = arith.constant 0 : i32
    %dma_wait3A_76 = tpu.memref_slice %arg2[%dma_wait3A_74, %dma_wait3A_75] : memref<20000x64xf32, #tpu.memory_space<hbm>> -> memref<20000x64xf32, #tpu.memory_space<hbm>>
    tpu.wait_indirect_dma semaphore(%arg16 : memref<!tpu.dma_semaphore, #tpu.memory_space<semaphore_mem>>) src(%dma_wait3A_76 : memref<20000x64xf32, #tpu.memory_space<hbm>>) dst(%arg10 : memref<125x64xf32, #tpu.memory_space<vmem>>)
    %dma_wait3A_77 = arith.constant 0 : i32
    %dma_wait3A_78 = arith.constant 0 : i32
    %dma_wait3A_79 = tpu.memref_slice %arg6[%dma_wait3A_77, %dma_wait3A_78] : memref<160x125xi32, #tpu.memory_space<vmem>> -> memref<1x125xi32, #tpu.memory_space<vmem>>
    %dma_wait3A_80 = tpu.memref_squeeze %dma_wait3A_79 : memref<1x125xi32, #tpu.memory_space<vmem>> -> memref<125xi32, #tpu.memory_space<vmem>>
    %dma_wait3A_81 = arith.constant 0 : i32
    %dma_wait3A_82 = arith.constant 0 : i32
    %dma_wait3A_83 = tpu.memref_slice %arg2[%dma_wait3A_81, %dma_wait3A_82] : memref<20000x64xf32, #tpu.memory_space<hbm>> -> memref<20000x64xf32, #tpu.memory_space<hbm>>
    tpu.wait_indirect_dma semaphore(%arg17 : memref<!tpu.dma_semaphore, #tpu.memory_space<semaphore_mem>>) src(%dma_wait3A_83 : memref<20000x64xf32, #tpu.memory_space<hbm>>) dst(%arg11 : memref<125x64xf32, #tpu.memory_space<vmem>>)
    %barrier3A_84 = arith.constant 0 : index
    tpu.barrier barrier_id(%barrier3A_84)
    %mul3A_85 = arith.constant 640 : i32
    %mul3A_86 = arith.muli %arg1, %mul3A_85 : i32
    %add3A_87 = arith.constant 0 : i32
    %add3A_88 = arith.addi %mul3A_86, %add3A_87 : i32
    "tpu.region"() ({
      %run_scoped3A = tpu.sem_alloc : memref<!tpu.dma_semaphore, #tpu.memory_space<semaphore_mem>>
      %dma_start3A_105 = arith.constant 0 : i32
      %dma_start3A_106 = tpu.memref_slice %arg13[%add3A_88, %dma_start3A_105] : memref<10240x64xf32, #tpu.memory_space<vmem_shared>> -> memref<128x64xf32, #tpu.memory_space<vmem_shared>>
      %dma_start3A_107 = arith.constant 0 : i32
      %dma_start3A_108 = tpu.memref_slice %arg13[%add3A_88, %dma_start3A_107] : memref<10240x64xf32, #tpu.memory_space<vmem_shared>> -> memref<128x64xf32, #tpu.memory_space<vmem_shared>>
      tpu.enqueue_dma source(%dma_start3A_108 : memref<128x64xf32, #tpu.memory_space<vmem_shared>>) target(%arg12 : memref<128x64xf32, #tpu.memory_space<vmem>>) target_semaphore(%run_scoped3A : memref<!tpu.dma_semaphore, #tpu.memory_space<semaphore_mem>>)
      %dma_wait3A_109 = arith.constant 0 : i32
      %dma_wait3A_110 = tpu.memref_slice %arg13[%add3A_88, %dma_wait3A_109] : memref<10240x64xf32, #tpu.memory_space<vmem_shared>> -> memref<128x64xf32, #tpu.memory_space<vmem_shared>>
      %dma_wait3A_111 = arith.constant 0 : i32
      %dma_wait3A_112 = tpu.memref_slice %arg13[%add3A_88, %dma_wait3A_111] : memref<10240x64xf32, #tpu.memory_space<vmem_shared>> -> memref<128x64xf32, #tpu.memory_space<vmem_shared>>
      tpu.wait_dma2 semaphore(%run_scoped3A : memref<!tpu.dma_semaphore, #tpu.memory_space<semaphore_mem>>) src(%dma_wait3A_112 : memref<128x64xf32, #tpu.memory_space<vmem_shared>>) dst(%arg12 : memref<128x64xf32, #tpu.memory_space<vmem>>)
      tpu.yield
    }) : () -> ()
    "tpu.region"() ({
      %run_scoped3A = tpu.sem_alloc : memref<!tpu.dma_semaphore, #tpu.memory_space<semaphore_mem>>
      %dma_start3A_105 = arith.constant 0 : i32
      %dma_start3A_106 = tpu.memref_slice %arg5[%arg0, %add3A_88, %dma_start3A_105] : memref<2x10240x64xf32, #tpu.memory_space<hbm>> -> memref<1x128x64xf32, #tpu.memory_space<hbm>>
      %dma_start3A_107 = tpu.memref_squeeze %dma_start3A_106 : memref<1x128x64xf32, #tpu.memory_space<hbm>> -> memref<128x64xf32, #tpu.memory_space<hbm>>
      %dma_start3A_108 = arith.constant 0 : i32
      %dma_start3A_109 = tpu.memref_slice %arg5[%arg0, %add3A_88, %dma_start3A_108] : memref<2x10240x64xf32, #tpu.memory_space<hbm>> -> memref<1x128x64xf32, #tpu.memory_space<hbm>>
      %dma_start3A_110 = tpu.memref_squeeze %dma_start3A_109 : memref<1x128x64xf32, #tpu.memory_space<hbm>> -> memref<128x64xf32, #tpu.memory_space<hbm>>
      tpu.enqueue_dma source(%arg12 : memref<128x64xf32, #tpu.memory_space<vmem>>) target(%dma_start3A_110 : memref<128x64xf32, #tpu.memory_space<hbm>>) target_semaphore(%run_scoped3A : memref<!tpu.dma_semaphore, #tpu.memory_space<semaphore_mem>>)
      %dma_wait3A_111 = arith.constant 0 : i32
      %dma_wait3A_112 = tpu.memref_slice %arg5[%arg0, %add3A_88, %dma_wait3A_111] : memref<2x10240x64xf32, #tpu.memory_space<hbm>> -> memref<1x128x64xf32, #tpu.memory_space<hbm>>
      %dma_wait3A_113 = tpu.memref_squeeze %dma_wait3A_112 : memref<1x128x64xf32, #tpu.memory_space<hbm>> -> memref<128x64xf32, #tpu.memory_space<hbm>>
      %dma_wait3A_114 = arith.constant 0 : i32
      %dma_wait3A_115 = tpu.memref_slice %arg5[%arg0, %add3A_88, %dma_wait3A_114] : memref<2x10240x64xf32, #tpu.memory_space<hbm>> -> memref<1x128x64xf32, #tpu.memory_space<hbm>>
      %dma_wait3A_116 = tpu.memref_squeeze %dma_wait3A_115 : memref<1x128x64xf32, #tpu.memory_space<hbm>> -> memref<128x64xf32, #tpu.memory_space<hbm>>
      tpu.wait_dma2 semaphore(%run_scoped3A : memref<!tpu.dma_semaphore, #tpu.memory_space<semaphore_mem>>) src(%arg12 : memref<128x64xf32, #tpu.memory_space<vmem>>) dst(%dma_wait3A_116 : memref<128x64xf32, #tpu.memory_space<hbm>>)
      tpu.yield
    }) : () -> ()
    %mul3A_89 = arith.constant 640 : i32
    %mul3A_90 = arith.muli %arg1, %mul3A_89 : i32
    %add3A_91 = arith.constant 128 : i32
    %add3A_92 = arith.addi %mul3A_90, %add3A_91 : i32
    "tpu.region"() ({
      %run_scoped3A = tpu.sem_alloc : memref<!tpu.dma_semaphore, #tpu.memory_space<semaphore_mem>>
      %dma_start3A_105 = arith.constant 0 : i32
      %dma_start3A_106 = tpu.memref_slice %arg13[%add3A_92, %dma_start3A_105] : memref<10240x64xf32, #tpu.memory_space<vmem_shared>> -> memref<128x64xf32, #tpu.memory_space<vmem_shared>>
      %dma_start3A_107 = arith.constant 0 : i32
      %dma_start3A_108 = tpu.memref_slice %arg13[%add3A_92, %dma_start3A_107] : memref<10240x64xf32, #tpu.memory_space<vmem_shared>> -> memref<128x64xf32, #tpu.memory_space<vmem_shared>>
      tpu.enqueue_dma source(%dma_start3A_108 : memref<128x64xf32, #tpu.memory_space<vmem_shared>>) target(%arg12 : memref<128x64xf32, #tpu.memory_space<vmem>>) target_semaphore(%run_scoped3A : memref<!tpu.dma_semaphore, #tpu.memory_space<semaphore_mem>>)
      %dma_wait3A_109 = arith.constant 0 : i32
      %dma_wait3A_110 = tpu.memref_slice %arg13[%add3A_92, %dma_wait3A_109] : memref<10240x64xf32, #tpu.memory_space<vmem_shared>> -> memref<128x64xf32, #tpu.memory_space<vmem_shared>>
      %dma_wait3A_111 = arith.constant 0 : i32
      %dma_wait3A_112 = tpu.memref_slice %arg13[%add3A_92, %dma_wait3A_111] : memref<10240x64xf32, #tpu.memory_space<vmem_shared>> -> memref<128x64xf32, #tpu.memory_space<vmem_shared>>
      tpu.wait_dma2 semaphore(%run_scoped3A : memref<!tpu.dma_semaphore, #tpu.memory_space<semaphore_mem>>) src(%dma_wait3A_112 : memref<128x64xf32, #tpu.memory_space<vmem_shared>>) dst(%arg12 : memref<128x64xf32, #tpu.memory_space<vmem>>)
      tpu.yield
    }) : () -> ()
    "tpu.region"() ({
      %run_scoped3A = tpu.sem_alloc : memref<!tpu.dma_semaphore, #tpu.memory_space<semaphore_mem>>
      %dma_start3A_105 = arith.constant 0 : i32
      %dma_start3A_106 = tpu.memref_slice %arg5[%arg0, %add3A_92, %dma_start3A_105] : memref<2x10240x64xf32, #tpu.memory_space<hbm>> -> memref<1x128x64xf32, #tpu.memory_space<hbm>>
      %dma_start3A_107 = tpu.memref_squeeze %dma_start3A_106 : memref<1x128x64xf32, #tpu.memory_space<hbm>> -> memref<128x64xf32, #tpu.memory_space<hbm>>
      %dma_start3A_108 = arith.constant 0 : i32
      %dma_start3A_109 = tpu.memref_slice %arg5[%arg0, %add3A_92, %dma_start3A_108] : memref<2x10240x64xf32, #tpu.memory_space<hbm>> -> memref<1x128x64xf32, #tpu.memory_space<hbm>>
      %dma_start3A_110 = tpu.memref_squeeze %dma_start3A_109 : memref<1x128x64xf32, #tpu.memory_space<hbm>> -> memref<128x64xf32, #tpu.memory_space<hbm>>
      tpu.enqueue_dma source(%arg12 : memref<128x64xf32, #tpu.memory_space<vmem>>) target(%dma_start3A_110 : memref<128x64xf32, #tpu.memory_space<hbm>>) target_semaphore(%run_scoped3A : memref<!tpu.dma_semaphore, #tpu.memory_space<semaphore_mem>>)
      %dma_wait3A_111 = arith.constant 0 : i32
      %dma_wait3A_112 = tpu.memref_slice %arg5[%arg0, %add3A_92, %dma_wait3A_111] : memref<2x10240x64xf32, #tpu.memory_space<hbm>> -> memref<1x128x64xf32, #tpu.memory_space<hbm>>
      %dma_wait3A_113 = tpu.memref_squeeze %dma_wait3A_112 : memref<1x128x64xf32, #tpu.memory_space<hbm>> -> memref<128x64xf32, #tpu.memory_space<hbm>>
      %dma_wait3A_114 = arith.constant 0 : i32
      %dma_wait3A_115 = tpu.memref_slice %arg5[%arg0, %add3A_92, %dma_wait3A_114] : memref<2x10240x64xf32, #tpu.memory_space<hbm>> -> memref<1x128x64xf32, #tpu.memory_space<hbm>>
      %dma_wait3A_116 = tpu.memref_squeeze %dma_wait3A_115 : memref<1x128x64xf32, #tpu.memory_space<hbm>> -> memref<128x64xf32, #tpu.memory_space<hbm>>
      tpu.wait_dma2 semaphore(%run_scoped3A : memref<!tpu.dma_semaphore, #tpu.memory_space<semaphore_mem>>) src(%arg12 : memref<128x64xf32, #tpu.memory_space<vmem>>) dst(%dma_wait3A_116 : memref<128x64xf32, #tpu.memory_space<hbm>>)
      tpu.yield
    }) : () -> ()
    %mul3A_93 = arith.constant 640 : i32
    %mul3A_94 = arith.muli %arg1, %mul3A_93 : i32
    %add3A_95 = arith.constant 256 : i32
    %add3A_96 = arith.addi %mul3A_94, %add3A_95 : i32
    "tpu.region"() ({
      %run_scoped3A = tpu.sem_alloc : memref<!tpu.dma_semaphore, #tpu.memory_space<semaphore_mem>>
      %dma_start3A_105 = arith.constant 0 : i32
      %dma_start3A_106 = tpu.memref_slice %arg13[%add3A_96, %dma_start3A_105] : memref<10240x64xf32, #tpu.memory_space<vmem_shared>> -> memref<128x64xf32, #tpu.memory_space<vmem_shared>>
      %dma_start3A_107 = arith.constant 0 : i32
      %dma_start3A_108 = tpu.memref_slice %arg13[%add3A_96, %dma_start3A_107] : memref<10240x64xf32, #tpu.memory_space<vmem_shared>> -> memref<128x64xf32, #tpu.memory_space<vmem_shared>>
      tpu.enqueue_dma source(%dma_start3A_108 : memref<128x64xf32, #tpu.memory_space<vmem_shared>>) target(%arg12 : memref<128x64xf32, #tpu.memory_space<vmem>>) target_semaphore(%run_scoped3A : memref<!tpu.dma_semaphore, #tpu.memory_space<semaphore_mem>>)
      %dma_wait3A_109 = arith.constant 0 : i32
      %dma_wait3A_110 = tpu.memref_slice %arg13[%add3A_96, %dma_wait3A_109] : memref<10240x64xf32, #tpu.memory_space<vmem_shared>> -> memref<128x64xf32, #tpu.memory_space<vmem_shared>>
      %dma_wait3A_111 = arith.constant 0 : i32
      %dma_wait3A_112 = tpu.memref_slice %arg13[%add3A_96, %dma_wait3A_111] : memref<10240x64xf32, #tpu.memory_space<vmem_shared>> -> memref<128x64xf32, #tpu.memory_space<vmem_shared>>
      tpu.wait_dma2 semaphore(%run_scoped3A : memref<!tpu.dma_semaphore, #tpu.memory_space<semaphore_mem>>) src(%dma_wait3A_112 : memref<128x64xf32, #tpu.memory_space<vmem_shared>>) dst(%arg12 : memref<128x64xf32, #tpu.memory_space<vmem>>)
      tpu.yield
    }) : () -> ()
    "tpu.region"() ({
      %run_scoped3A = tpu.sem_alloc : memref<!tpu.dma_semaphore, #tpu.memory_space<semaphore_mem>>
      %dma_start3A_105 = arith.constant 0 : i32
      %dma_start3A_106 = tpu.memref_slice %arg5[%arg0, %add3A_96, %dma_start3A_105] : memref<2x10240x64xf32, #tpu.memory_space<hbm>> -> memref<1x128x64xf32, #tpu.memory_space<hbm>>
      %dma_start3A_107 = tpu.memref_squeeze %dma_start3A_106 : memref<1x128x64xf32, #tpu.memory_space<hbm>> -> memref<128x64xf32, #tpu.memory_space<hbm>>
      %dma_start3A_108 = arith.constant 0 : i32
      %dma_start3A_109 = tpu.memref_slice %arg5[%arg0, %add3A_96, %dma_start3A_108] : memref<2x10240x64xf32, #tpu.memory_space<hbm>> -> memref<1x128x64xf32, #tpu.memory_space<hbm>>
      %dma_start3A_110 = tpu.memref_squeeze %dma_start3A_109 : memref<1x128x64xf32, #tpu.memory_space<hbm>> -> memref<128x64xf32, #tpu.memory_space<hbm>>
      tpu.enqueue_dma source(%arg12 : memref<128x64xf32, #tpu.memory_space<vmem>>) target(%dma_start3A_110 : memref<128x64xf32, #tpu.memory_space<hbm>>) target_semaphore(%run_scoped3A : memref<!tpu.dma_semaphore, #tpu.memory_space<semaphore_mem>>)
      %dma_wait3A_111 = arith.constant 0 : i32
      %dma_wait3A_112 = tpu.memref_slice %arg5[%arg0, %add3A_96, %dma_wait3A_111] : memref<2x10240x64xf32, #tpu.memory_space<hbm>> -> memref<1x128x64xf32, #tpu.memory_space<hbm>>
      %dma_wait3A_113 = tpu.memref_squeeze %dma_wait3A_112 : memref<1x128x64xf32, #tpu.memory_space<hbm>> -> memref<128x64xf32, #tpu.memory_space<hbm>>
      %dma_wait3A_114 = arith.constant 0 : i32
      %dma_wait3A_115 = tpu.memref_slice %arg5[%arg0, %add3A_96, %dma_wait3A_114] : memref<2x10240x64xf32, #tpu.memory_space<hbm>> -> memref<1x128x64xf32, #tpu.memory_space<hbm>>
      %dma_wait3A_116 = tpu.memref_squeeze %dma_wait3A_115 : memref<1x128x64xf32, #tpu.memory_space<hbm>> -> memref<128x64xf32, #tpu.memory_space<hbm>>
      tpu.wait_dma2 semaphore(%run_scoped3A : memref<!tpu.dma_semaphore, #tpu.memory_space<semaphore_mem>>) src(%arg12 : memref<128x64xf32, #tpu.memory_space<vmem>>) dst(%dma_wait3A_116 : memref<128x64xf32, #tpu.memory_space<hbm>>)
      tpu.yield
    }) : () -> ()
    %mul3A_97 = arith.constant 640 : i32
    %mul3A_98 = arith.muli %arg1, %mul3A_97 : i32
    %add3A_99 = arith.constant 384 : i32
    %add3A_100 = arith.addi %mul3A_98, %add3A_99 : i32
    "tpu.region"() ({
      %run_scoped3A = tpu.sem_alloc : memref<!tpu.dma_semaphore, #tpu.memory_space<semaphore_mem>>
      %dma_start3A_105 = arith.constant 0 : i32
      %dma_start3A_106 = tpu.memref_slice %arg13[%add3A_100, %dma_start3A_105] : memref<10240x64xf32, #tpu.memory_space<vmem_shared>> -> memref<128x64xf32, #tpu.memory_space<vmem_shared>>
      %dma_start3A_107 = arith.constant 0 : i32
      %dma_start3A_108 = tpu.memref_slice %arg13[%add3A_100, %dma_start3A_107] : memref<10240x64xf32, #tpu.memory_space<vmem_shared>> -> memref<128x64xf32, #tpu.memory_space<vmem_shared>>
      tpu.enqueue_dma source(%dma_start3A_108 : memref<128x64xf32, #tpu.memory_space<vmem_shared>>) target(%arg12 : memref<128x64xf32, #tpu.memory_space<vmem>>) target_semaphore(%run_scoped3A : memref<!tpu.dma_semaphore, #tpu.memory_space<semaphore_mem>>)
      %dma_wait3A_109 = arith.constant 0 : i32
      %dma_wait3A_110 = tpu.memref_slice %arg13[%add3A_100, %dma_wait3A_109] : memref<10240x64xf32, #tpu.memory_space<vmem_shared>> -> memref<128x64xf32, #tpu.memory_space<vmem_shared>>
      %dma_wait3A_111 = arith.constant 0 : i32
      %dma_wait3A_112 = tpu.memref_slice %arg13[%add3A_100, %dma_wait3A_111] : memref<10240x64xf32, #tpu.memory_space<vmem_shared>> -> memref<128x64xf32, #tpu.memory_space<vmem_shared>>
      tpu.wait_dma2 semaphore(%run_scoped3A : memref<!tpu.dma_semaphore, #tpu.memory_space<semaphore_mem>>) src(%dma_wait3A_112 : memref<128x64xf32, #tpu.memory_space<vmem_shared>>) dst(%arg12 : memref<128x64xf32, #tpu.memory_space<vmem>>)
      tpu.yield
    }) : () -> ()
    "tpu.region"() ({
      %run_scoped3A = tpu.sem_alloc : memref<!tpu.dma_semaphore, #tpu.memory_space<semaphore_mem>>
      %dma_start3A_105 = arith.constant 0 : i32
      %dma_start3A_106 = tpu.memref_slice %arg5[%arg0, %add3A_100, %dma_start3A_105] : memref<2x10240x64xf32, #tpu.memory_space<hbm>> -> memref<1x128x64xf32, #tpu.memory_space<hbm>>
      %dma_start3A_107 = tpu.memref_squeeze %dma_start3A_106 : memref<1x128x64xf32, #tpu.memory_space<hbm>> -> memref<128x64xf32, #tpu.memory_space<hbm>>
      %dma_start3A_108 = arith.constant 0 : i32
      %dma_start3A_109 = tpu.memref_slice %arg5[%arg0, %add3A_100, %dma_start3A_108] : memref<2x10240x64xf32, #tpu.memory_space<hbm>> -> memref<1x128x64xf32, #tpu.memory_space<hbm>>
      %dma_start3A_110 = tpu.memref_squeeze %dma_start3A_109 : memref<1x128x64xf32, #tpu.memory_space<hbm>> -> memref<128x64xf32, #tpu.memory_space<hbm>>
      tpu.enqueue_dma source(%arg12 : memref<128x64xf32, #tpu.memory_space<vmem>>) target(%dma_start3A_110 : memref<128x64xf32, #tpu.memory_space<hbm>>) target_semaphore(%run_scoped3A : memref<!tpu.dma_semaphore, #tpu.memory_space<semaphore_mem>>)
      %dma_wait3A_111 = arith.constant 0 : i32
      %dma_wait3A_112 = tpu.memref_slice %arg5[%arg0, %add3A_100, %dma_wait3A_111] : memref<2x10240x64xf32, #tpu.memory_space<hbm>> -> memref<1x128x64xf32, #tpu.memory_space<hbm>>
      %dma_wait3A_113 = tpu.memref_squeeze %dma_wait3A_112 : memref<1x128x64xf32, #tpu.memory_space<hbm>> -> memref<128x64xf32, #tpu.memory_space<hbm>>
      %dma_wait3A_114 = arith.constant 0 : i32
      %dma_wait3A_115 = tpu.memref_slice %arg5[%arg0, %add3A_100, %dma_wait3A_114] : memref<2x10240x64xf32, #tpu.memory_space<hbm>> -> memref<1x128x64xf32, #tpu.memory_space<hbm>>
      %dma_wait3A_116 = tpu.memref_squeeze %dma_wait3A_115 : memref<1x128x64xf32, #tpu.memory_space<hbm>> -> memref<128x64xf32, #tpu.memory_space<hbm>>
      tpu.wait_dma2 semaphore(%run_scoped3A : memref<!tpu.dma_semaphore, #tpu.memory_space<semaphore_mem>>) src(%arg12 : memref<128x64xf32, #tpu.memory_space<vmem>>) dst(%dma_wait3A_116 : memref<128x64xf32, #tpu.memory_space<hbm>>)
      tpu.yield
    }) : () -> ()
    %mul3A_101 = arith.constant 640 : i32
    %mul3A_102 = arith.muli %arg1, %mul3A_101 : i32
    %add3A_103 = arith.constant 512 : i32
    %add3A_104 = arith.addi %mul3A_102, %add3A_103 : i32
    "tpu.region"() ({
      %run_scoped3A = tpu.sem_alloc : memref<!tpu.dma_semaphore, #tpu.memory_space<semaphore_mem>>
      %dma_start3A_105 = arith.constant 0 : i32
      %dma_start3A_106 = tpu.memref_slice %arg13[%add3A_104, %dma_start3A_105] : memref<10240x64xf32, #tpu.memory_space<vmem_shared>> -> memref<128x64xf32, #tpu.memory_space<vmem_shared>>
      %dma_start3A_107 = arith.constant 0 : i32
      %dma_start3A_108 = tpu.memref_slice %arg13[%add3A_104, %dma_start3A_107] : memref<10240x64xf32, #tpu.memory_space<vmem_shared>> -> memref<128x64xf32, #tpu.memory_space<vmem_shared>>
      tpu.enqueue_dma source(%dma_start3A_108 : memref<128x64xf32, #tpu.memory_space<vmem_shared>>) target(%arg12 : memref<128x64xf32, #tpu.memory_space<vmem>>) target_semaphore(%run_scoped3A : memref<!tpu.dma_semaphore, #tpu.memory_space<semaphore_mem>>)
      %dma_wait3A_109 = arith.constant 0 : i32
      %dma_wait3A_110 = tpu.memref_slice %arg13[%add3A_104, %dma_wait3A_109] : memref<10240x64xf32, #tpu.memory_space<vmem_shared>> -> memref<128x64xf32, #tpu.memory_space<vmem_shared>>
      %dma_wait3A_111 = arith.constant 0 : i32
      %dma_wait3A_112 = tpu.memref_slice %arg13[%add3A_104, %dma_wait3A_111] : memref<10240x64xf32, #tpu.memory_space<vmem_shared>> -> memref<128x64xf32, #tpu.memory_space<vmem_shared>>
      tpu.wait_dma2 semaphore(%run_scoped3A : memref<!tpu.dma_semaphore, #tpu.memory_space<semaphore_mem>>) src(%dma_wait3A_112 : memref<128x64xf32, #tpu.memory_space<vmem_shared>>) dst(%arg12 : memref<128x64xf32, #tpu.memory_space<vmem>>)
      tpu.yield
    }) : () -> ()
    "tpu.region"() ({
      %run_scoped3A = tpu.sem_alloc : memref<!tpu.dma_semaphore, #tpu.memory_space<semaphore_mem>>
      %dma_start3A_105 = arith.constant 0 : i32
      %dma_start3A_106 = tpu.memref_slice %arg5[%arg0, %add3A_104, %dma_start3A_105] : memref<2x10240x64xf32, #tpu.memory_space<hbm>> -> memref<1x128x64xf32, #tpu.memory_space<hbm>>
      %dma_start3A_107 = tpu.memref_squeeze %dma_start3A_106 : memref<1x128x64xf32, #tpu.memory_space<hbm>> -> memref<128x64xf32, #tpu.memory_space<hbm>>
      %dma_start3A_108 = arith.constant 0 : i32
      %dma_start3A_109 = tpu.memref_slice %arg5[%arg0, %add3A_104, %dma_start3A_108] : memref<2x10240x64xf32, #tpu.memory_space<hbm>> -> memref<1x128x64xf32, #tpu.memory_space<hbm>>
      %dma_start3A_110 = tpu.memref_squeeze %dma_start3A_109 : memref<1x128x64xf32, #tpu.memory_space<hbm>> -> memref<128x64xf32, #tpu.memory_space<hbm>>
      tpu.enqueue_dma source(%arg12 : memref<128x64xf32, #tpu.memory_space<vmem>>) target(%dma_start3A_110 : memref<128x64xf32, #tpu.memory_space<hbm>>) target_semaphore(%run_scoped3A : memref<!tpu.dma_semaphore, #tpu.memory_space<semaphore_mem>>)
      %dma_wait3A_111 = arith.constant 0 : i32
      %dma_wait3A_112 = tpu.memref_slice %arg5[%arg0, %add3A_104, %dma_wait3A_111] : memref<2x10240x64xf32, #tpu.memory_space<hbm>> -> memref<1x128x64xf32, #tpu.memory_space<hbm>>
      %dma_wait3A_113 = tpu.memref_squeeze %dma_wait3A_112 : memref<1x128x64xf32, #tpu.memory_space<hbm>> -> memref<128x64xf32, #tpu.memory_space<hbm>>
      %dma_wait3A_114 = arith.constant 0 : i32
      %dma_wait3A_115 = tpu.memref_slice %arg5[%arg0, %add3A_104, %dma_wait3A_114] : memref<2x10240x64xf32, #tpu.memory_space<hbm>> -> memref<1x128x64xf32, #tpu.memory_space<hbm>>
      %dma_wait3A_116 = tpu.memref_squeeze %dma_wait3A_115 : memref<1x128x64xf32, #tpu.memory_space<hbm>> -> memref<128x64xf32, #tpu.memory_space<hbm>>
      tpu.wait_dma2 semaphore(%run_scoped3A : memref<!tpu.dma_semaphore, #tpu.memory_space<semaphore_mem>>) src(%arg12 : memref<128x64xf32, #tpu.memory_space<vmem>>) dst(%dma_wait3A_116 : memref<128x64xf32, #tpu.memory_space<hbm>>)
      tpu.yield
    }) : () -> ()
    return
  }
}

</mosaic_0001>

<sc_bundles>
// kernel: _sc_aggregate.3.cloned.1.call-start
scs
__scs_entry_jumppad:
0x0: {  	(pc) =	sbr.rel $0x88, $3  }
0x1: {  	(tag) =	ssettag $0x0;
	lr =	simm.s32 $0x1  }
0x2: {  	[smem:$0x3F9E] =	sst lr;
	_ =	strace $0xD0000000  }
0x3: {  	_ = 	snop  }
0x4: {  	_ = 	snop  }
0x5: {  	_ = 	snop  }
0x6: {  	_ = 	snop  }
0x7: {  	_ = 	snop  }
__scs_overlays_trampoline_lowered:
0x8: {  	[smem:$0x3FAD] =	sst s0  }
0x9: {  	[smem:$0x3FAE] =	sst s1  }
0xa: {  	[smem:$0x3FAF] =	sst s2  }
0xb: {  	[smem:$0x3FB0] =	sst s3  }
0xc: {  	[smem:$0x3FB1] =	sst s4  }
0xd: {  	[smem:$0x3FB2] =	sst s5  }
0xe: {  	[smem:$0x3FB3] =	sst s6  }
0xf: {  	[smem:$0x3FB4] =	sst s7  }
0x10: {  	[smem:$0x3FB5] =	sst s8  }
0x11: {  	[smem:$0x3FB6] =	sst s9;
	s0 =	simm.s32 @!p0 $0x0  }
0x12: {  	s1 =	sld [smem:$0x3F9C];
	s0 =	simm.s32 @p0 $0x1  }
0x13: {  	[smem:$0x3FB7] =	sst s0;
	s0 =	simm.s32 @!p1 $0x0  }
0x14: {  	s2 =	sld [smem:$0x3F9B];
	s0 =	simm.s32 @p1 $0x1  }
0x15: {  	[smem:$0x3FB8] =	sst s0;
	s0 =	simm.s32 @!p2 $0x0  }
0x16: {  	s3 =	sld [smem:$0x3FDB];
	s0 =	simm.s32 @p2 $0x1  }
0x17: {  	s4 =	simm.s32 $0x1BF5;
	[smem:$0x3FBA] =	sst s0  }
0x18: {  	s0 =	sld [smem:$0x3F9D];
	_ =	swait.ge [sflag:s4], $0x0  }
0x19: {  	s7 =	sld [smem:$0x3F9E]  }
0x1a: {  	s8 =	sadd.s32 $0xFFFFE003, lr  }
0x1b: {  	s9 =	sadd.s32 $0xFFFFFEF7, lr;
	s5 =	simm.s32 $0xFFFFFFFF;
	p2 =	slt.u32 s8, $0xFFFFF086  }
0x1c: {  	p1 =	slt.u32 s9, $0xF7A;
	s5 =	simm.s32 @!p2 $0x0  }
0x1d: {  	s5 =	simm.s32 @p1 $0x1;
	p0 =	seq.s32 s7, s2  }
0x1e: {  	s7 =	smul.u32 @!p0 $0xF7A, s2;
	p2 =	seq.s32 @!p0 s5, $0x0  }
0x1f: {  	s9 =	smul.u32 $0xF7A, s1;
	s8 =	simm.s32 @!p0 $0x1BF5;
	p2 =	por !p2, p0  }
0x20: {  	[sflag:s8] =	ssyncset.s32 @!p0 $0xFFFFF086;
	s6 =	sadd.s32 @!p0 s3, s7;
	s7 =	simm.s32 @!p0 $0x108  }
0x21: {  	s3 =	sadd.s32 s3, s9;
	s6 =	sadd.s32 @!p0 $0x88, s6;
	s7 =	simm.s32 @p2 $0x1082  }
0x22: {  	[simem:s7], [sflag:s8] =	dma.local @!p0 [hbm:s6], $0xF7A  }
0x23: {  	s9 =	sor.u32 $0xD0000000, s2;
	s6 =	simm.s32 $0x108;
	_ =	swait.ge @!p0 [sflag:s8], $0x0  }
0x24: {  	s3 =	sadd.s32 $0x88, s3;
	s6 =	simm.s32 @!p1 $0x1082;
	[sflag:s4] =	ssyncset.s32 $0xFFFFF086  }
0x25: {  	[simem:s6], [sflag:s4] =	dma.local [hbm:s3], $0xF7A  }
0x26: {  	[smem:$0x3F9E] =	sst s1;
	(tag) =	ssettag s2;
	_ =	strace s9  }
0x27: {  	s1 =	sld [smem:$0x3FAE]  }
0x28: {  	s2 =	sld [smem:$0x3FAF]  }
0x29: {  	s4 =	sld [smem:$0x3FB1]  }
0x2a: {  	p0 =	seq.s32 s5, $0x0;
	s5 =	sld [smem:$0x3FB2]  }
0x2b: {  	s6 =	sld [smem:$0x3FB3]  }
0x2c: {  	s7 =	sld [smem:$0x3FB4]  }
0x2d: {  	s3 =	simm.s32 $0x108;
	s8 =	sld [smem:$0x3FB5]  }
0x2e: {  	s3 =	simm.s32 @!p0 $0x1082;
	s9 =	sld [smem:$0x3FB6]  }
0x2f: {  	lr =	sadd.s32 s0, s3;
	s0 =	sld [smem:$0x3FAD]  }
0x30: {  	s3 =	sld [smem:$0x3FB0]  }
0x31: {  	[smem:$0x3FB9] =	sst s10  }
0x32: {  	s10 =	sld [smem:$0x3FB7];
	_ =	sdelay $0x3  }
0x33: {  	p0 =	seq.s32 s10, $0x1;
	s10 =	sld [smem:$0x3FB9];
	_ =	sdelay $0x3  }
0x34: {  	[smem:$0x3FB9] =	sst s10  }
0x35: {  	s10 =	sld [smem:$0x3FB8];
	_ =	sdelay $0x3  }
0x36: {  	p1 =	seq.s32 s10, $0x1;
	s10 =	sld [smem:$0x3FB9];
	_ =	sdelay $0x3  }
0x37: {  	[smem:$0x3FB9] =	sst s10  }
0x38: {  	s10 =	sld [smem:$0x3FBA]  }
0x39: {  	_ = 	snop;
	(pc) =	sbr.ind lr, $3  }
0x3a: {  	_ = 	snop  }
0x3b: {  	_ = 	snop  }
0x3c: {  	p2 =	seq.s32 s10, $0x1;
	s10 =	sld [smem:$0x3FB9]  }
0x3d: {  	_ =	shalt  }
0x3e: {  	_ =	shalt  }
0x3f: {  	_ =	shalt  }
0x40: {  	_ =	shalt  }
0x41: {  	_ =	shalt  }
0x42: {  	_ =	shalt  }
0x43: {  	_ =	shalt  }
0x44: {  	_ =	shalt  }
0x45: {  	_ =	shalt  }
0x46: {  	_ =	shalt  }
0x47: {  	_ =	shalt  }
0x48: {  	_ =	shalt  }
0x49: {  	_ =	shalt  }
0x4a: {  	_ =	shalt  }
0x4b: {  	_ =	shalt  }
0x4c: {  	_ =	shalt  }
0x4d: {  	_ =	shalt  }
0x4e: {  	_ =	shalt  }
0x4f: {  	_ =	shalt  }
0x50: {  	_ =	shalt  }
0x51: {  	_ =	shalt  }
0x52: {  	_ =	shalt  }
0x53: {  	_ =	shalt  }
0x54: {  	_ =	shalt  }
0x55: {  	_ =	shalt  }
0x56: {  	_ =	shalt  }
0x57: {  	_ =	shalt  }
0x58: {  	_ =	shalt  }
0x59: {  	_ =	shalt  }
0x5a: {  	_ =	shalt  }
0x5b: {  	_ =	shalt  }
0x5c: {  	_ =	shalt  }
0x5d: {  	_ =	shalt  }
0x5e: {  	_ =	shalt  }
0x5f: {  	_ =	shalt  }
0x60: {  	_ =	shalt  }
0x61: {  	_ =	shalt  }
0x62: {  	_ =	shalt  }
0x63: {  	_ =	shalt  }
0x64: {  	_ =	shalt  }
0x65: {  	_ =	shalt  }
0x66: {  	_ =	shalt  }
0x67: {  	_ =	shalt  }
0x68: {  	_ =	shalt  }
0x69: {  	_ =	shalt  }
0x6a: {  	_ =	shalt  }
0x6b: {  	_ =	shalt  }
0x6c: {  	_ =	shalt  }
0x6d: {  	_ =	shalt  }
0x6e: {  	_ =	shalt  }
0x6f: {  	_ =	shalt  }
0x70: {  	_ =	shalt  }
0x71: {  	_ =	shalt  }
0x72: {  	_ =	shalt  }
0x73: {  	_ =	shalt  }
0x74: {  	_ =	shalt  }
0x75: {  	_ =	shalt  }
0x76: {  	_ =	shalt  }
0x77: {  	_ =	shalt  }
0x78: {  	_ =	shalt  }
0x79: {  	_ =	shalt  }
0x7a: {  	_ =	shalt  }
0x7b: {  	_ =	shalt  }
0x7c: {  	_ =	shalt  }
0x7d: {  	_ =	shalt  }
0x7e: {  	_ =	shalt  }
0x7f: {  	_ =	shalt  }
0x80: {  	_ =	shalt  }
0x81: {  	_ =	shalt  }
0x82: {  	_ =	shalt  }
0x83: {  	_ =	shalt  }
0x84: {  	_ =	shalt  }
0x85: {  	_ =	shalt  }
0x86: {  	_ =	shalt  }
0x87: {  	_ =	shalt  }
.Lfunc_end0:
.L_simem_size_0:
called_computation_lowered:
.L_overlay_start_0:
0x88: {  	s2 =	sld [smem:$0x3FD9]  }
0x89: {  	s3 =	sld [smem:$0x3FFE];
	_ =	sdelay $0x1  }
0x8a: {  	s1 =	srdreg.scid  }
0x8b: {  	s0 =	sand.u32 $0x1, s1  }
0x8c: {  	s17 =	sshll.u32 s0, $0xA;
	s2 =	sadd.s32 s3, s2  }
0x8d: {  	s2 =	sadd.s32 s2, s17  }
0x8e: {  	[smem:$0x3FC5] =	sst s2  }
0x8f: {  	_ = 	snop  }
0x90: {  	s2 =	sld [smem:$0x3FD0];
	(tm) =	ssettm $0x1  }
0x91: {  	s18 =	sld [smem:$0x3FFB];
	_ =	sdelay $0x3  }
0x92: {  	_ =	strace s18  }
0x93: {  	s3 =	sld [smem:$0x3FFC];
	_ =	sdelay $0x3  }
0x94: {  	_ =	strace s3  }
0x95: {  	s3 =	sld [smem:$0x3FFD];
	_ =	sdelay $0x3  }
0x96: {  	_ =	strace s3  }
0x97: {  	_ =	strace $0x8FFFFFFF  }
0x98: {  	s19 =	sld [smem:$0x3FDB];
	_ =	sdelay $0x1  }
0x99: {  	s4 =	simm.s32 $_scs_section_size  }
0x9a: {  	s5 =	simm.s32 $_size__tile_overlayer_lowered;
	s6 =	simm.s32 $_tile_overlayer_lowered  }
0x9b: {  	s22 =	simm.s32 $0x1BFF;
	s21 =	sshll.u32 s6, $0x1;
	s3 =	sadd.s32 s4, s19  }
0x9c: {  	s7 =	simm.s32 $0x0;
	s20 =	sshll.u32 s5, $0x1;
	s5 =	sadd.s32 s21, s3  }
0x9d: {  	[timem:s7], [sflag:s22] =	dma.local [hbm:s5], s20  }
0x9e: {  	_ =	swait.ge [sflag:s22], s20  }
0x9f: {  	s4 =	ssub.s32 $0x0, s20;
	[sflag:s22] =	ssyncset.done $0x0  }
0xa0: {  	[sflag:s22] =	ssyncadd.s32 s4;
	_ =	sdelay $0x1  }
0xa1: {  	s23 =	simm.s32 $0x1B8B  }
0xa2: {  	_ =	swait.ge [sflag:s23], $0x1  }
0xa3: {  	[sflag:s23] =	ssyncset.done $0x0  }
0xa4: {  	s25 =	simm.s32 $0x1B8E;
	s24 =	sld [smem:$0x3FFE];
	[sflag:s23] =	ssyncadd.s32 $0xFFFFFFFF  }
0xa5: {  	s26 =	simm.s32 $execute0_lowered;
	[smem:$0x3FD2] =	sst s25  }
0xa6: {  	s5 =	sshll.u32 s26, $0x1;
	_ =	strace $0x80000046;
	[dreg:$0x1] =	wrdreg $0xFFFFFFFF  }
0xa7: {  	s28 =	simm.s32 $_size_execute0_lowered;
	s3 =	sadd.s32 s3, s5;
	[dreg:$0x0] =	wrdreg $0x0  }
0xa8: {  	s5 =	sshll.u32 s28, $0x1;
	[dreg:$0x2] =	wrdreg s3  }
0xa9: {  	[dreg:$0x3] =	wrdreg s5  }
0xaa: {  	[dreg:$0x4] =	wrdreg $0xC0  }
0xab: {  	_ =	task [dreg:s7], $0x5FFFF  }
0xac: {  	[dreg:$0x1] =	wrdreg $0xFFFFFFFF  }
0xad: {  	[dreg:$0x0] =	wrdreg $0x60  }
0xae: {  	[dreg:$0x2] =	wrdreg s24  }
0xaf: {  	[dreg:$0x3] =	wrdreg s2  }
0xb0: {  	[dreg:$0x4] =	wrdreg $0x13D000  }
0xb1: {  	[dreg:$0x5] =	wrdreg $0x9  }
0xb2: {  	_ =	task.clear_ibuf [dreg:s7], $0x6FFFF;
	_ =	strace $0x90000046  }
0xb3: {  	s29 =	simm.s32 $0x9;
	_ =	strace $0x80000048  }
0xb4: {  	_ =	swait.ge [sflag:s29], $0x1  }
0xb5: {  	[sflag:s29] =	ssyncadd.s32 $0xFFFFFFFF  }
0xb6: {  	_ =	strace $0x90000048  }
0xb7: {  	_ =	sfence  }
0xb8: {  	s30 =	sld [smem:$0x0];
	_ =	sdelay $0x2  }
0xb9: {  	s31 =	sshll.u32 s1, $0xD;
	s1 =	sshrl.u32 s1, $0x2  }
0xba: {  	s3 =	sand.u32 $0x4000, s31;
	s1 =	sadd.s32 s1, s30  }
0xbb: {  	s0 =	sor.u32 s3, s0;
	s1 =	sshll.u32 s1, $0x11  }
0xbc: {  	s0 =	sor.u32 s1, s0  }
0xbd: {  	s0 =	sadd.s32 $0x8F2B, s0  }
0xbe: {  	[sflag:s0] =	ssyncadd.remote.s32 $0x1  }
0xbf: {  	_ =	sfence.sel $0xFFFF  }
0xc0: {  	[dreg:$0x0] =	wrdreg $0xFFFFFFFF;
	(pc) =	sbr.abs _section_cstart, $3  }
0xc1: {  	[dreg:$0x1] =	wrdreg $0xFFFFFFFF  }
0xc2: {  	_ =	task.clear_ibuf [dreg:s7], $0x2FFFF;
	_ =	strace $0x9FFFFFFF  }
0xc3: {  	(tm) =	ssettm $0x7FFFFFFF  }
tec
execute0_lowered:
.L_overlay_start_1:
0x0: {  	(tag) =	ssettag $0x1  }
0x1: {  	s0 =	rddreg [dreg:$0x0]  }
0x2: {  	s1 =	rddreg [dreg:$0x1];
	s3 =	srdreg.scid  }
0x3: {  	s8 =	stileid.u32;
	s2 =	rddreg [dreg:$0x2]  }
0x4: {  	s18 =	simm.s32 $0x11D00;
	s29 =	simm.s32 $0xFDC0;
	s30 =	simm.s32 $0x1  }
0x5: {  	s31 =	simm.s32 $0x2;
	s28 =	simm.s32 $0x8;
	s5 =	smul.u32 $0x5000, s8  }
0x6: {  	s7 =	sand.u32 $0x1, s3;
	s3 =	simm.s32 $0x0;
	s10 =	smul.u32 $0xA000, s8  }
0x7: {  	s4 =	smul.u32 $0x50000, s7;
	[smem:$0x7FF] =	sst s3;
	s19 =	ssub.s32 $0x2, s7  }
0x8: {  	s16 =	smul.u32 $0xA0000, s7;
	_ =	strace $0x80000047;
	s20 =	sshrl.u32 s19, $0x1  }
0x9: {  	s12 =	sadd.s32 $0x2000, s10;
	s14 =	sadd.s32 $0x4000, s10;
	s15 =	sadd.s32 $0x6000, s10  }
0xa: {  	s17 =	sadd.s32 $0x8000, s10;
	s6 =	sadd.s32 s5, s4;
	s4 =	sadd.s32 $0x800, s0  }
0xb: {  	s5 =	sshrl.u32 s5, $0x3;
	s13 =	ssub.s32 s19, s20;
	s7 =	sadd.s32 s14, s2  }
0xc: {  	s8 =	sadd.s32 s15, s2;
	s9 =	sadd.s32 s17, s2;
	s24 =	sadd.s32 s16, s14  }
0xd: {  	s25 =	sadd.s32 s16, s15;
	s26 =	sadd.s32 s16, s17;
	s19 =	simm.s32 $0x9  }
0xe: {  	s20 =	simm.s32 $0x5;
	s6 =	sshrl.u32 s6, $0x3;
	s17 =	smax.u32 s13, $0x1  }
0xf: {  	s11 =	sadd.s32 s6, s0;
	s0 =	sadd.s32 s5, s0;
	s5 =	sadd.s32 s10, s2  }
0x10: {  	s6 =	sadd.s32 s12, s2;
	s10 =	sadd.s32 s10, s16;
	s11 =	sadd.s32 $0x27A00, s11  }
0x11: {  	s12 =	sadd.s32 s16, s12;
	s0 =	sadd.s32 $0x3BA00, s0;
	[dreg:$0x4] =	wrdreg s11  }
0x12: {  	s10 =	sshrl.u32 s10, $0x3;
	s21 =	sshrl.u32 s12, $0x3;
	[dreg:$0x5] =	wrdreg s0  }
0x13: {  	s22 =	sadd.s32 s1, s10;
	s23 =	sadd.s32 s1, s21;
	s0 =	sshrl.u32 s24, $0x3  }
0x14: {  	s10 =	sshrl.u32 s25, $0x3;
	s11 =	sshrl.u32 s26, $0x3;
	s21 =	simm.s32 $0x7D  }
0x15: {  	s24 =	simm.s32 $0xBF40;
	s26 =	simm.s32 $0xDE80;
	[dreg:$0x6] =	wrdreg s22  }
0x16: {  	s25 =	simm.s32 $0x7;
	[dreg:$0x7] =	wrdreg s23;
	s0 =	sadd.s32 s1, s0  }
0x17: {  	s15 =	sadd.s32 s1, s10;
	s16 =	sadd.s32 s1, s11;
	s22 =	simm.s32 $0xA000  }
0x18: {  	s1 =	simm.s32 $0x3;
	s23 =	simm.s32 $0x6;
	s10 =	simm.s32 $0x4F80  }
0x19: {  	v0 =	vimm.f32 $0.0e+00;
	s11 =	simm.s32 $0x0;
	[dreg:$0x8] =	wrdreg s0;
	s0 =	simm.s32 $0x4  }
.LBB2_1:
0x1a: {  	s13 =	simm.s32 $0x100;
	s12 =	simm.s32 $0x0  }
.LBB2_2:
0x1b: {  	p0 =	sne.s32 s13, $0x7F00;
	[tilespmem:s12+$0x11D30] =	vst v0;
	s14 =	smov.u32 s13;
	s13 =	sadd.s32 $0x100, s13  }
.Ltmp0:
0x1c: {  	[tilespmem:s12+$0x11D20] =	vst v0;
	(pc) =	sbr.rel @p0 .LBB2_2-.Ltmp0, $3  }
0x1d: {  	[tilespmem:s12+$0x11D00] =	vst v0  }
0x1e: {  	[tilespmem:s12+$0x11D10] =	vst v0;
	_ =	sdelay $0x1  }
0x1f: {  	s12 =	sshra.s32 s14, $0x2  }
0x20: {  	[tilespmem:s12+$0x11D30] =	vst v0  }
0x21: {  	[tilespmem:s12+$0x11D20] =	vst v0  }
0x22: {  	[tilespmem:s12+$0x11D00] =	vst v0  }
0x23: {  	[tilespmem:s12+$0x11D10] =	vst v0  }
0x24: {  	[spmem:s5] =	stream.linear.scatter [tilespmem:s18], [sflag:$0x9], $0x2000, $0x38;
	[tilespmem:$0x1DD00] =	vst v63  }
0x25: {  	_ =	swait.ge [sflag:s19], $0x2000  }
0x26: {  	[sflag:s19] =	ssyncset.done $0x0  }
0x27: {  	[sflag:s19] =	ssyncadd.s32 $0xFFFFE000  }
0x28: {  	[spmem:s6] =	stream.linear.scatter [tilespmem:s18], [sflag:$0x9], $0x2000, $0x38;
	[tilespmem:$0x1DD00] =	vst v63  }
0x29: {  	_ =	swait.ge [sflag:s19], $0x2000  }
0x2a: {  	[sflag:s19] =	ssyncset.done $0x0  }
0x2b: {  	[sflag:s19] =	ssyncadd.s32 $0xFFFFE000  }
0x2c: {  	[spmem:s7] =	stream.linear.scatter [tilespmem:s18], [sflag:$0x9], $0x2000, $0x38;
	[tilespmem:$0x1DD00] =	vst v63  }
0x2d: {  	_ =	swait.ge [sflag:s19], $0x2000  }
0x2e: {  	[sflag:s19] =	ssyncset.done $0x0  }
0x2f: {  	[sflag:s19] =	ssyncadd.s32 $0xFFFFE000  }
0x30: {  	[spmem:s8] =	stream.linear.scatter [tilespmem:s18], [sflag:$0x9], $0x2000, $0x38;
	[tilespmem:$0x1DD00] =	vst v63  }
0x31: {  	_ =	swait.ge [sflag:s19], $0x2000  }
0x32: {  	[sflag:s19] =	ssyncset.done $0x0  }
0x33: {  	[sflag:s19] =	ssyncadd.s32 $0xFFFFE000  }
0x34: {  	[spmem:s9] =	stream.linear.scatter [tilespmem:s18], [sflag:$0x9], $0x2000, $0x38;
	[tilespmem:$0x1DD00] =	vst v63  }
0x35: {  	_ =	swait.ge [sflag:s19], $0x2000  }
0x36: {  	[sflag:s19] =	ssyncset.done $0x0  }
0x37: {  	s12 =	simm.s32 $0x0;
	s13 =	rddreg [dreg:$0x4];
	[sflag:s19] =	ssyncadd.s32 $0xFFFFE000  }
0x38: {  	[tilespmem:s12], [sflag:$0x9] =	stream.linear.gather [hbm4b:s13+s12], $0x5000, $0x38;
	[tilespmem:$0x1DD00] =	vst v63  }
0x39: {  	_ =	swait.ge [sflag:s19], $0x5000  }
0x3a: {  	[sflag:s19] =	ssyncset.done $0x0  }
0x3b: {  	s14 =	simm.s32 $0x5000;
	s13 =	rddreg [dreg:$0x5];
	[sflag:s19] =	ssyncadd.s32 $0xFFFFB000  }
0x3c: {  	[tilespmem:s14], [sflag:$0x9] =	stream.linear.gather [hbm4b:s13+s12], $0x5000, $0x38;
	[tilespmem:$0x1DD00] =	vst v63  }
0x3d: {  	_ =	swait.ge [sflag:s19], $0x5000  }
0x3e: {  	[sflag:s19] =	ssyncset.done $0x0  }
0x3f: {  	[sflag:s19] =	ssyncadd.s32 $0xFFFFB000  }
0x40: {  	[bflag:$0x0] =	sbarrier.arrive $0xFFFF  }
0x41: {  	[tilespmem:s22], [sflag:$0x1] =	stream.indirect.gather [hbm4b:s4+s21], $0x40, s12, s21, $0xb8;
	[tilespmem:$0x1DD00] =	vst v63  }
0x42: {  	s13 =	simm.s32 $0x80  }
0x43: {  	[tilespmem:s24], [sflag:$0x2] =	stream.indirect.gather [hbm4b:s4+s21], $0x40, s13, s21, $0xb8;
	[tilespmem:$0x1DD00] =	vst v63  }
0x44: {  	s14 =	simm.s32 $0x100  }
0x45: {  	[tilespmem:s26], [sflag:$0x3] =	stream.indirect.gather [hbm4b:s4+s21], $0x40, s14, s21, $0xb8;
	[tilespmem:$0x1DD00] =	vst v63  }
0x46: {  	s13 =	simm.s32 $0x180  }
0x47: {  	[tilespmem:s29], [sflag:$0x4] =	stream.indirect.gather [hbm4b:s4+s21], $0x40, s13, s21, $0xb8;
	[tilespmem:$0x1DD00] =	vst v63  }
0x48: {  	_ =	swait.ge [sflag:s30], $0x1F40  }
0x49: {  	[sflag:s30] =	ssyncset.done $0x0  }
0x4a: {  	s14 =	simm.s32 $0x5000;
	[sflag:s30] =	ssyncadd.s32 $0xFFFFE0C0  }
0x4b: {  	[spmem:s2] =	stream.indirect.scatter.add.f32 [tilespmem:s22], [sflag:$0x5], $0x40, s14, s21, $0xb8;
	[tilespmem:$0x1DD00] =	vst v63  }
0x4c: {  	_ =	swait.ge [sflag:s31], $0x1F40  }
0x4d: {  	[sflag:s31] =	ssyncset.done $0x0  }
0x4e: {  	s13 =	simm.s32 $0x5080;
	[sflag:s31] =	ssyncadd.s32 $0xFFFFE0C0  }
0x4f: {  	[spmem:s2] =	stream.indirect.scatter.add.f32 [tilespmem:s24], [sflag:$0x6], $0x40, s13, s21, $0xb8;
	[tilespmem:$0x1DD00] =	vst v63  }
0x50: {  	_ =	swait.ge [sflag:s1], $0x1F40  }
0x51: {  	[sflag:s1] =	ssyncset.done $0x0  }
0x52: {  	s14 =	simm.s32 $0x5100;
	[sflag:s1] =	ssyncadd.s32 $0xFFFFE0C0  }
0x53: {  	[spmem:s2] =	stream.indirect.scatter.add.f32 [tilespmem:s26], [sflag:$0x7], $0x40, s14, s21, $0xb8;
	[tilespmem:$0x1DD00] =	vst v63  }
0x54: {  	_ =	swait.ge [sflag:s0], $0x1F40  }
0x55: {  	[sflag:s0] =	ssyncset.done $0x0  }
0x56: {  	s13 =	simm.s32 $0x5180;
	[sflag:s0] =	ssyncadd.s32 $0xFFFFE0C0  }
0x57: {  	[spmem:s2] =	stream.indirect.scatter.add.f32 [tilespmem:s29], [sflag:$0x8], $0x40, s13, s21, $0xb8;
	[tilespmem:$0x1DD00] =	vst v63  }
0x58: {  	_ =	swait.ge [sflag:s20], $0x1F40  }
0x59: {  	[sflag:s20] =	ssyncset.done $0x0  }
0x5a: {  	s14 =	simm.s32 $0x200;
	[sflag:s20] =	ssyncadd.s32 $0xFFFFE0C0  }
0x5b: {  	[tilespmem:s22], [sflag:$0x1] =	stream.indirect.gather [hbm4b:s4+s21], $0x40, s14, s21, $0xb8;
	[tilespmem:$0x1DD00] =	vst v63  }
0x5c: {  	_ =	swait.ge [sflag:s23], $0x1F40  }
0x5d: {  	[sflag:s23] =	ssyncset.done $0x0  }
0x5e: {  	s13 =	simm.s32 $0x280;
	[sflag:s23] =	ssyncadd.s32 $0xFFFFE0C0  }
0x5f: {  	[tilespmem:s24], [sflag:$0x2] =	stream.indirect.gather [hbm4b:s4+s21], $0x40, s13, s21, $0xb8;
	[tilespmem:$0x1DD00] =	vst v63  }
0x60: {  	_ =	swait.ge [sflag:s25], $0x1F40  }
0x61: {  	[sflag:s25] =	ssyncset.done $0x0  }
0x62: {  	s14 =	simm.s32 $0x300;
	[sflag:s25] =	ssyncadd.s32 $0xFFFFE0C0  }
0x63: {  	[tilespmem:s26], [sflag:$0x3] =	stream.indirect.gather [hbm4b:s4+s21], $0x40, s14, s21, $0xb8;
	[tilespmem:$0x1DD00] =	vst v63  }
0x64: {  	_ =	swait.ge [sflag:s28], $0x1F40  }
0x65: {  	[sflag:s28] =	ssyncset.done $0x0  }
0x66: {  	s12 =	simm.s32 $0x800;
	s13 =	simm.s32 $0x380;
	[sflag:s28] =	ssyncadd.s32 $0xFFFFE0C0  }
.LBB2_4:
0x67: {  	[tilespmem:s29], [sflag:$0x4] =	stream.indirect.gather [hbm4b:s4+s21], $0x40, s13, s21, $0xb8;
	[tilespmem:$0x1DD00] =	vst v63  }
0x68: {  	s13 =	smov.u32 s12  }
0x69: {  	p0 =	sne.s32 s12, $0x12800;
	s12 =	sadd.s32 $0x800, s12;
	_ =	swait.ge [sflag:s30], $0x1F40  }
0x6a: {  	s13 =	sshra.s32 s13, $0x2;
	[sflag:s30] =	ssyncset.done $0x0  }
0x6b: {  	s14 =	sadd.s32 $0x5000, s13;
	[sflag:s30] =	ssyncadd.s32 $0xFFFFE0C0  }
0x6c: {  	[spmem:s2] =	stream.indirect.scatter.add.f32 [tilespmem:s22], [sflag:$0x5], $0x40, s14, s21, $0xb8;
	[tilespmem:$0x1DD00] =	vst v63  }
0x6d: {  	_ =	swait.ge [sflag:s31], $0x1F40  }
0x6e: {  	[sflag:s31] =	ssyncset.done $0x0  }
0x6f: {  	s14 =	sadd.s32 $0x5080, s13;
	[sflag:s31] =	ssyncadd.s32 $0xFFFFE0C0  }
0x70: {  	[spmem:s2] =	stream.indirect.scatter.add.f32 [tilespmem:s24], [sflag:$0x6], $0x40, s14, s21, $0xb8;
	[tilespmem:$0x1DD00] =	vst v63  }
0x71: {  	_ =	swait.ge [sflag:s1], $0x1F40  }
0x72: {  	[sflag:s1] =	ssyncset.done $0x0  }
0x73: {  	s14 =	sadd.s32 $0x5100, s13;
	[sflag:s1] =	ssyncadd.s32 $0xFFFFE0C0  }
0x74: {  	[spmem:s2] =	stream.indirect.scatter.add.f32 [tilespmem:s26], [sflag:$0x7], $0x40, s14, s21, $0xb8;
	[tilespmem:$0x1DD00] =	vst v63  }
0x75: {  	_ =	swait.ge [sflag:s0], $0x1F40  }
0x76: {  	[sflag:s0] =	ssyncset.done $0x0  }
0x77: {  	s14 =	sadd.s32 $0x5180, s13;
	[sflag:s0] =	ssyncadd.s32 $0xFFFFE0C0  }
0x78: {  	[spmem:s2] =	stream.indirect.scatter.add.f32 [tilespmem:s29], [sflag:$0x8], $0x40, s14, s21, $0xb8;
	[tilespmem:$0x1DD00] =	vst v63  }
0x79: {  	_ =	swait.ge [sflag:s20], $0x1F40  }
0x7a: {  	[sflag:s20] =	ssyncset.done $0x0  }
0x7b: {  	s14 =	sadd.s32 $0x200, s13;
	[sflag:s20] =	ssyncadd.s32 $0xFFFFE0C0  }
0x7c: {  	[tilespmem:s22], [sflag:$0x1] =	stream.indirect.gather [hbm4b:s4+s21], $0x40, s14, s21, $0xb8;
	[tilespmem:$0x1DD00] =	vst v63  }
0x7d: {  	_ =	swait.ge [sflag:s23], $0x1F40  }
0x7e: {  	[sflag:s23] =	ssyncset.done $0x0  }
0x7f: {  	s14 =	sadd.s32 $0x280, s13;
	[sflag:s23] =	ssyncadd.s32 $0xFFFFE0C0  }
0x80: {  	[tilespmem:s24], [sflag:$0x2] =	stream.indirect.gather [hbm4b:s4+s21], $0x40, s14, s21, $0xb8;
	[tilespmem:$0x1DD00] =	vst v63  }
0x81: {  	_ =	swait.ge [sflag:s25], $0x1F40  }
0x82: {  	[sflag:s25] =	ssyncset.done $0x0  }
.Ltmp1:
0x83: {  	s14 =	sadd.s32 $0x300, s13;
	[sflag:s25] =	ssyncadd.s32 $0xFFFFE0C0;
	(pc) =	sbr.rel @p0 .LBB2_4-.Ltmp1, $4  }
0x84: {  	[tilespmem:s26], [sflag:$0x3] =	stream.indirect.gather [hbm4b:s4+s21], $0x40, s14, s21, $0xb8;
	[tilespmem:$0x1DD00] =	vst v63  }
0x85: {  	_ =	swait.ge [sflag:s28], $0x1F40  }
0x86: {  	[sflag:s28] =	ssyncset.done $0x0  }
0x87: {  	s13 =	sadd.s32 $0x380, s13;
	[sflag:s28] =	ssyncadd.s32 $0xFFFFE0C0  }
0x88: {  	[tilespmem:s29], [sflag:$0x4] =	stream.indirect.gather [hbm4b:s4+s21], $0x40, s13, s21, $0xb8;
	[tilespmem:$0x1DD00] =	vst v63  }
0x89: {  	_ =	swait.ge [sflag:s30], $0x1F40  }
0x8a: {  	[sflag:s30] =	ssyncset.done $0x0  }
0x8b: {  	s12 =	simm.s32 $0x9C00;
	[sflag:s30] =	ssyncadd.s32 $0xFFFFE0C0  }
0x8c: {  	[spmem:s2] =	stream.indirect.scatter.add.f32 [tilespmem:s22], [sflag:$0x5], $0x40, s12, s21, $0xb8;
	[tilespmem:$0x1DD00] =	vst v63  }
0x8d: {  	_ =	swait.ge [sflag:s31], $0x1F40  }
0x8e: {  	[sflag:s31] =	ssyncset.done $0x0  }
0x8f: {  	s14 =	simm.s32 $0x9C80;
	[sflag:s31] =	ssyncadd.s32 $0xFFFFE0C0  }
0x90: {  	[spmem:s2] =	stream.indirect.scatter.add.f32 [tilespmem:s24], [sflag:$0x6], $0x40, s14, s21, $0xb8;
	[tilespmem:$0x1DD00] =	vst v63  }
0x91: {  	_ =	swait.ge [sflag:s1], $0x1F40  }
0x92: {  	[sflag:s1] =	ssyncset.done $0x0  }
0x93: {  	s13 =	simm.s32 $0x9D00;
	[sflag:s1] =	ssyncadd.s32 $0xFFFFE0C0  }
0x94: {  	[spmem:s2] =	stream.indirect.scatter.add.f32 [tilespmem:s26], [sflag:$0x7], $0x40, s13, s21, $0xb8;
	[tilespmem:$0x1DD00] =	vst v63  }
0x95: {  	_ =	swait.ge [sflag:s0], $0x1F40  }
0x96: {  	[sflag:s0] =	ssyncset.done $0x0  }
0x97: {  	s14 =	simm.s32 $0x9D80;
	[sflag:s0] =	ssyncadd.s32 $0xFFFFE0C0  }
0x98: {  	[spmem:s2] =	stream.indirect.scatter.add.f32 [tilespmem:s29], [sflag:$0x8], $0x40, s14, s21, $0xb8;
	[tilespmem:$0x1DD00] =	vst v63  }
0x99: {  	_ =	swait.ge [sflag:s20], $0x1F40  }
0x9a: {  	[sflag:s20] =	ssyncset.done $0x0  }
0x9b: {  	s13 =	simm.s32 $0x4E00;
	[sflag:s20] =	ssyncadd.s32 $0xFFFFE0C0  }
0x9c: {  	[tilespmem:s22], [sflag:$0x1] =	stream.indirect.gather [hbm4b:s4+s21], $0x40, s13, s21, $0xb8;
	[tilespmem:$0x1DD00] =	vst v63  }
0x9d: {  	_ =	swait.ge [sflag:s23], $0x1F40  }
0x9e: {  	[sflag:s23] =	ssyncset.done $0x0  }
0x9f: {  	s14 =	simm.s32 $0x4E80;
	[sflag:s23] =	ssyncadd.s32 $0xFFFFE0C0  }
0xa0: {  	[tilespmem:s24], [sflag:$0x2] =	stream.indirect.gather [hbm4b:s4+s21], $0x40, s14, s21, $0xb8;
	[tilespmem:$0x1DD00] =	vst v63  }
0xa1: {  	_ =	swait.ge [sflag:s25], $0x1F40  }
0xa2: {  	[sflag:s25] =	ssyncset.done $0x0  }
0xa3: {  	s13 =	simm.s32 $0x4F00;
	[sflag:s25] =	ssyncadd.s32 $0xFFFFE0C0  }
0xa4: {  	[tilespmem:s26], [sflag:$0x3] =	stream.indirect.gather [hbm4b:s4+s21], $0x40, s13, s21, $0xb8;
	[tilespmem:$0x1DD00] =	vst v63  }
0xa5: {  	_ =	swait.ge [sflag:s28], $0x1F40  }
0xa6: {  	[sflag:s28] =	ssyncset.done $0x0  }
0xa7: {  	[sflag:s28] =	ssyncadd.s32 $0xFFFFE0C0  }
0xa8: {  	[tilespmem:s29], [sflag:$0x4] =	stream.indirect.gather [hbm4b:s4+s21], $0x40, s10, s21, $0xb8;
	[tilespmem:$0x1DD00] =	vst v63  }
0xa9: {  	_ =	swait.ge [sflag:s30], $0x1F40  }
0xaa: {  	[sflag:s30] =	ssyncset.done $0x0  }
0xab: {  	s14 =	simm.s32 $0x9E00;
	[sflag:s30] =	ssyncadd.s32 $0xFFFFE0C0  }
0xac: {  	[spmem:s2] =	stream.indirect.scatter.add.f32 [tilespmem:s22], [sflag:$0x5], $0x40, s14, s21, $0xb8;
	[tilespmem:$0x1DD00] =	vst v63  }
0xad: {  	_ =	swait.ge [sflag:s31], $0x1F40  }
0xae: {  	[sflag:s31] =	ssyncset.done $0x0  }
0xaf: {  	s13 =	simm.s32 $0x9E80;
	[sflag:s31] =	ssyncadd.s32 $0xFFFFE0C0  }
0xb0: {  	[spmem:s2] =	stream.indirect.scatter.add.f32 [tilespmem:s24], [sflag:$0x6], $0x40, s13, s21, $0xb8;
	[tilespmem:$0x1DD00] =	vst v63  }
0xb1: {  	_ =	swait.ge [sflag:s1], $0x1F40  }
0xb2: {  	[sflag:s1] =	ssyncset.done $0x0  }
0xb3: {  	s14 =	simm.s32 $0x9F00;
	[sflag:s1] =	ssyncadd.s32 $0xFFFFE0C0  }
0xb4: {  	[spmem:s2] =	stream.indirect.scatter.add.f32 [tilespmem:s26], [sflag:$0x7], $0x40, s14, s21, $0xb8;
	[tilespmem:$0x1DD00] =	vst v63  }
0xb5: {  	_ =	swait.ge [sflag:s0], $0x1F40  }
0xb6: {  	[sflag:s0] =	ssyncset.done $0x0  }
0xb7: {  	s13 =	simm.s32 $0x9F80;
	[sflag:s0] =	ssyncadd.s32 $0xFFFFE0C0  }
0xb8: {  	[spmem:s2] =	stream.indirect.scatter.add.f32 [tilespmem:s29], [sflag:$0x8], $0x40, s13, s21, $0xb8;
	[tilespmem:$0x1DD00] =	vst v63  }
0xb9: {  	_ =	swait.ge [sflag:s20], $0x1F40  }
0xba: {  	[sflag:s20] =	ssyncset.done $0x0  }
0xbb: {  	[sflag:s20] =	ssyncadd.s32 $0xFFFFE0C0  }
0xbc: {  	[tilespmem:s22], [sflag:$0x1] =	stream.indirect.gather [hbm4b:s4+s21], $0x40, s10, s21, $0xb8;
	[tilespmem:$0x1DD00] =	vst v63  }
0xbd: {  	_ =	swait.ge [sflag:s23], $0x1F40  }
0xbe: {  	[sflag:s23] =	ssyncset.done $0x0  }
0xbf: {  	[sflag:s23] =	ssyncadd.s32 $0xFFFFE0C0  }
0xc0: {  	[tilespmem:s24], [sflag:$0x2] =	stream.indirect.gather [hbm4b:s4+s21], $0x40, s10, s21, $0xb8;
	[tilespmem:$0x1DD00] =	vst v63  }
0xc1: {  	_ =	swait.ge [sflag:s25], $0x1F40  }
0xc2: {  	[sflag:s25] =	ssyncset.done $0x0  }
0xc3: {  	[sflag:s25] =	ssyncadd.s32 $0xFFFFE0C0  }
0xc4: {  	[tilespmem:s26], [sflag:$0x3] =	stream.indirect.gather [hbm4b:s4+s21], $0x40, s10, s21, $0xb8;
	[tilespmem:$0x1DD00] =	vst v63  }
0xc5: {  	_ =	swait.ge [sflag:s28], $0x1F40  }
0xc6: {  	[sflag:s28] =	ssyncset.done $0x0  }
0xc7: {  	[sflag:s28] =	ssyncadd.s32 $0xFFFFE0C0  }
0xc8: {  	[tilespmem:s29], [sflag:$0x4] =	stream.indirect.gather [hbm4b:s4+s21], $0x40, s10, s21, $0xb8;
	[tilespmem:$0x1DD00] =	vst v63  }
0xc9: {  	_ =	swait.ge [sflag:s30], $0x1F40  }
0xca: {  	[sflag:s30] =	ssyncset.done $0x0  }
0xcb: {  	[sflag:s30] =	ssyncadd.s32 $0xFFFFE0C0  }
0xcc: {  	_ =	swait.ge [sflag:s31], $0x1F40  }
0xcd: {  	[sflag:s31] =	ssyncset.done $0x0  }
0xce: {  	[sflag:s31] =	ssyncadd.s32 $0xFFFFE0C0  }
0xcf: {  	_ =	swait.ge [sflag:s1], $0x1F40  }
0xd0: {  	[sflag:s1] =	ssyncset.done $0x0  }
0xd1: {  	[sflag:s1] =	ssyncadd.s32 $0xFFFFE0C0  }
0xd2: {  	_ =	swait.ge [sflag:s0], $0x1F40  }
0xd3: {  	[sflag:s0] =	ssyncset.done $0x0  }
0xd4: {  	[sflag:s0] =	ssyncadd.s32 $0xFFFFE0C0  }
0xd5: {  	[bflag:$0x0] =	sbarrier.arrive $0xFFFF  }
0xd6: {  	[tilespmem:s18], [sflag:$0x9] =	stream.linear.gather [spmem:s5], $0x2000, $0x38;
	[tilespmem:$0x1DD00] =	vst v63  }
0xd7: {  	_ =	swait.ge [sflag:s19], $0x2000  }
0xd8: {  	[sflag:s19] =	ssyncset.done $0x0  }
0xd9: {  	s14 =	rddreg [dreg:$0x6];
	[sflag:s19] =	ssyncadd.s32 $0xFFFFE000  }
0xda: {  	[hbm4b:s14+s3] =	stream.linear.scatter [tilespmem:s18], [sflag:$0x9], $0x2000, $0x38;
	[tilespmem:$0x1DD00] =	vst v63  }
0xdb: {  	_ =	swait.ge [sflag:s19], $0x2000  }
0xdc: {  	[sflag:s19] =	ssyncset.done $0x0  }
0xdd: {  	[sflag:s19] =	ssyncadd.s32 $0xFFFFE000  }
0xde: {  	[tilespmem:s18], [sflag:$0x9] =	stream.linear.gather [spmem:s6], $0x2000, $0x38;
	[tilespmem:$0x1DD00] =	vst v63  }
0xdf: {  	_ =	swait.ge [sflag:s19], $0x2000  }
0xe0: {  	[sflag:s19] =	ssyncset.done $0x0  }
0xe1: {  	s13 =	rddreg [dreg:$0x7];
	[sflag:s19] =	ssyncadd.s32 $0xFFFFE000  }
0xe2: {  	[hbm4b:s13+s3] =	stream.linear.scatter [tilespmem:s18], [sflag:$0x9], $0x2000, $0x38;
	[tilespmem:$0x1DD00] =	vst v63  }
0xe3: {  	_ =	swait.ge [sflag:s19], $0x2000  }
0xe4: {  	[sflag:s19] =	ssyncset.done $0x0  }
0xe5: {  	[sflag:s19] =	ssyncadd.s32 $0xFFFFE000  }
0xe6: {  	[tilespmem:s18], [sflag:$0x9] =	stream.linear.gather [spmem:s7], $0x2000, $0x38;
	[tilespmem:$0x1DD00] =	vst v63  }
0xe7: {  	_ =	swait.ge [sflag:s19], $0x2000  }
0xe8: {  	[sflag:s19] =	ssyncset.done $0x0  }
0xe9: {  	s14 =	rddreg [dreg:$0x8];
	[sflag:s19] =	ssyncadd.s32 $0xFFFFE000  }
0xea: {  	[hbm4b:s14+s3] =	stream.linear.scatter [tilespmem:s18], [sflag:$0x9], $0x2000, $0x38;
	[tilespmem:$0x1DD00] =	vst v63  }
0xeb: {  	_ =	swait.ge [sflag:s19], $0x2000  }
0xec: {  	[sflag:s19] =	ssyncset.done $0x0  }
0xed: {  	[sflag:s19] =	ssyncadd.s32 $0xFFFFE000  }
0xee: {  	[tilespmem:s18], [sflag:$0x9] =	stream.linear.gather [spmem:s8], $0x2000, $0x38;
	[tilespmem:$0x1DD00] =	vst v63  }
0xef: {  	_ =	swait.ge [sflag:s19], $0x2000  }
0xf0: {  	[sflag:s19] =	ssyncset.done $0x0  }
0xf1: {  	[sflag:s19] =	ssyncadd.s32 $0xFFFFE000  }
0xf2: {  	[hbm4b:s15+s3] =	stream.linear.scatter [tilespmem:s18], [sflag:$0x9], $0x2000, $0x38;
	[tilespmem:$0x1DD00] =	vst v63  }
0xf3: {  	_ =	swait.ge [sflag:s19], $0x2000  }
0xf4: {  	[sflag:s19] =	ssyncset.done $0x0  }
0xf5: {  	[sflag:s19] =	ssyncadd.s32 $0xFFFFE000  }
0xf6: {  	[tilespmem:s18], [sflag:$0x9] =	stream.linear.gather [spmem:s9], $0x2000, $0x38;
	[tilespmem:$0x1DD00] =	vst v63  }
0xf7: {  	s11 =	sadd.s32 $0x1, s11;
	_ =	swait.ge [sflag:s19], $0x2000  }
0xf8: {  	p0 =	sne.s32 s11, s17;
	[sflag:s19] =	ssyncset.done $0x0  }
.Ltmp2:
0xf9: {  	[sflag:s19] =	ssyncadd.s32 $0xFFFFE000;
	(pc) =	sbr.rel @p0 .LBB2_1-.Ltmp2, $4  }
0xfa: {  	[hbm4b:s16+s3] =	stream.linear.scatter [tilespmem:s18], [sflag:$0x9], $0x2000, $0x38;
	[tilespmem:$0x1DD00] =	vst v63  }
0xfb: {  	_ =	swait.ge [sflag:s19], $0x2000  }
0xfc: {  	[sflag:s19] =	ssyncset.done $0x0  }
0xfd: {  	[sflag:s19] =	ssyncadd.s32 $0xFFFFE000  }
0xfe: {  	_ =	sfence.sel $0x180000  }
0xff: {  	[bflag:$0x0] =	sbarrier.arrive $0xFFFF  }
0x100: {  	_ =	strace $0x90000047  }
0x101: {  	s0 =	stileid.u32;
	[bflag:$0x2] =	sbarrier.arrive $0xFFFF  }
0x102: {  	p0 =	sne.s32 s0, $0x0;
	s0 =	rddreg [dreg:$0x3]  }
0x103: {  	s0 =	sadd.s32 @!p0 $0x100000, s0  }
0x104: {  	[sflag:s0] =	ssyncadd.tile.s32 @!p0 $0x1;
	_ =	shalt  }
.Lfunc_end2:
_tile_overlayer_lowered:
.L_overlay_start_2:
0x105: {  	(tag) =	ssettag $0x2  }
0x106: {  	s0 =	rddreg [dreg:$0x0];
	s2 =	stileid.u32  }
0x107: {  	s1 =	rddreg [dreg:$0x1];
	p0 =	sne.s32 s2, $0x0  }
0x108: {  	s3 =	rddreg [dreg:$0x2];
	[bflag:$0x3] =	sbarrier.arrive $0xFFFF;
	s2 =	simm.s32 @!p0 $0x1C09  }
0x109: {  	[timem:s3], [sflag:s2] =	dma.local @!p0 [hbm:s0], s1  }
0x10a: {  	s0 =	simm.s32 @!p0 $0x9  }
0x10b: {  	_ =	swait.ge @!p0 [sflag:s0], s1  }
0x10c: {  	s1 =	ssub.s32 @!p0 $0x0, s1;
	[sflag:s0] =	ssyncset.done @!p0 $0x0  }
0x10d: {  	[sflag:s0] =	ssyncadd.s32 @!p0 s1  }
0x10e: {  	[bflag:$0x3] =	sbarrier.arrive $0xFFFF  }
0x10f: {  	_ =	shalt  }

</sc_bundles>
